<compile_context>
chip_gen: v7x
topology: tpu7x:2x2x1
jax: 0.10.2.dev20260603
libtpu: 0.0.44.dev20260713+nightly
codegen_flags: <defaults>
</compile_context>

<pallas_src>
import functools

import jax
import jax.numpy as jnp
from jax import lax
from jax.experimental import pallas as pl
from jax.experimental.pallas import tpu as pltpu
from jax.experimental.pallas import tpu_sc as plsc

_NC = 2
_NS = 16
_EK = 80
_BN = 1000


def _npad(n_nodes):
    align = 8 * _NS
    return ((n_nodes + align - 1) // align) * align


def _sc_mesh():
    return plsc.VectorSubcoreMesh(core_axis_name="c", subcore_axis_name="s",
                                  num_cores=_NC, num_subcores=_NS)


def _build_sc_agg(n_nodes, ept_pad, n_chunks, with_cnt=False):
    npad = _npad(n_nodes)
    rows_t = npad // _NS
    rounds = ept_pad // _EK
    cpc = n_chunks // _NC
    agg_t = jax.ShapeDtypeStruct((n_chunks * npad, 128), jnp.float32)
    cnt_t = jax.ShapeDtypeStruct((_NC * npad, 128), jnp.float32)
    out_type = (agg_t, cnt_t) if with_cnt else agg_t
    scratch = (
        pltpu.VMEM_SHARED((npad, 128), jnp.float32),
        pltpu.VMEM((ept_pad,), jnp.int32),
        pltpu.VMEM((rounds, _EK), jnp.int32),
        pltpu.VMEM((_EK, 128), jnp.float32),
        pltpu.VMEM((_EK, 128), jnp.float32),
        pltpu.SemaphoreType.DMA,
        pltpu.SemaphoreType.DMA,
        pltpu.SemaphoreType.DMA,
        pltpu.SemaphoreType.DMA,
    )

    def body(*refs):
        if with_cnt:
            (x_h, src_h, dst_h, z_h, on_h, agg_o, cnt_o,
             acc_s, gidx, didx, gb0, gb1,
             sem0, sem1, sso0, sso1) = refs
        else:
            (x_h, src_h, dst_h, z_h, agg_o,
             acc_s, gidx, didx, gb0, gb1,
             sem0, sem1, sso0, sso1) = refs
        c = lax.axis_index("c")
        t = lax.axis_index("s")
        row0 = t * rows_t
        pltpu.sync_copy(src_h.at[t], gidx)
        pltpu.sync_copy(dst_h.at[t], didx)

        if with_cnt:
            pltpu.sync_copy(on_h, gb0)
            pltpu.sync_copy(z_h, acc_s.at[pl.ds(row0, rows_t)])
            plsc.subcore_barrier()

            def cbody(r, carry):
                @pl.when(lax.rem(r, 2) == c)
                def _():
                    pltpu.sync_copy(gb0, acc_s.at[didx.at[r]], add=True)
                return carry

            lax.fori_loop(0, rounds, cbody, 0)
            plsc.subcore_barrier()
            pltpu.sync_copy(acc_s.at[pl.ds(row0, rows_t)],
                            cnt_o.at[pl.ds(c * npad + row0, rows_t)])
            plsc.subcore_barrier()

        for ci in range(cpc):
            chunk = c + _NC * ci

            def xform(j, carry, ci=ci, chunk=chunk):
                sl = pl.ds(j * 16, 16)
                if ci == 0:
                    gidx[sl] = gidx[sl] * n_chunks + chunk
                else:
                    gidx[sl] = gidx[sl] + _NC
                return carry

            lax.fori_loop(0, ept_pad // 16, xform, 0)

            pltpu.sync_copy(z_h, acc_s.at[pl.ds(row0, rows_t)])
            plsc.subcore_barrier()

            pltpu.async_copy(x_h.at[gidx.at[pl.ds(0, _EK)]], gb0, sem0)

            def rbody(r, carry):
                def do(gbA, semA, ssoA, gbB, semB, ssoB):
                    pltpu.make_async_copy(
                        x_h.at[gidx.at[pl.ds(r * _EK, _EK)]], gbA, semA).wait()
                    pltpu.async_copy(gbA, acc_s.at[didx.at[r]], ssoA, add=True)

                    @pl.when(r + 1 < rounds)
                    def _():
                        @pl.when(r >= 1)
                        def _():
                            pltpu.make_async_copy(
                                gbB, acc_s.at[didx.at[0]], ssoB).wait()

                        pltpu.async_copy(
                            x_h.at[gidx.at[pl.ds((r + 1) * _EK, _EK)]], gbB, semB)

                @pl.when(lax.rem(r, 2) == 0)
                def _():
                    do(gb0, sem0, sso0, gb1, sem1, sso1)

                @pl.when(lax.rem(r, 2) == 1)
                def _():
                    do(gb1, sem1, sso1, gb0, sem0, sso0)

                return carry

            lax.fori_loop(0, rounds, rbody, 0)
            pltpu.make_async_copy(gb0, acc_s.at[didx.at[0]], sso0).wait()
            pltpu.make_async_copy(gb1, acc_s.at[didx.at[0]], sso1).wait()
            plsc.subcore_barrier()

            out0 = chunk * npad + row0
            pltpu.sync_copy(acc_s.at[pl.ds(row0, rows_t)],
                            agg_o.at[pl.ds(out0, rows_t)])
            plsc.subcore_barrier()

    return pl.kernel(body, out_type=out_type, mesh=_sc_mesh(),
                     scratch_types=scratch)


def _tc_sage1(agg, cnt, x, w_cat, b_row):
    n = x.shape[0]
    grid = n // _BN
    d = x.shape[1]
    h = w_cat.shape[1]

    def body(aref, cref, xref, wref, bref, oref):
        cs = cref[0] + cref[1]
        inv = 1.0 / jnp.maximum(cs[:, 0:1], 1.0)
        xa = jnp.concatenate([aref[0] * inv, aref[1] * inv, xref[...]], axis=1)
        acc = jnp.dot(xa.astype(jnp.bfloat16), wref[...].astype(jnp.bfloat16),
                      preferred_element_type=jnp.float32)
        oref[...] = jnp.maximum(acc + bref[...], 0.0)

    return pl.pallas_call(
        body,
        grid=(grid,),
        in_specs=[
            pl.BlockSpec((2, _BN, 128), lambda i: (0, i, 0)),
            pl.BlockSpec((2, _BN, 128), lambda i: (0, i, 0)),
            pl.BlockSpec((_BN, d), lambda i: (i, 0)),
            pl.BlockSpec((2 * d, h), lambda i: (0, 0)),
            pl.BlockSpec((1, h), lambda i: (0, 0)),
        ],
        out_specs=pl.BlockSpec((_BN, h), lambda i: (i, 0)),
        out_shape=jax.ShapeDtypeStruct((n, h), jnp.float32),
        compiler_params=pltpu.CompilerParams(dimension_semantics=("arbitrary",)),
    )(agg, cnt, x, w_cat, b_row)


def _tc_sage2_pool_head(agg, cnt, hin, batch3, meta_p, w_cat, b_row,
                        wh1g, wh1m, bh1r, wh2, bh2r, wh3, bh3r):
    n = hin.shape[0]
    grid = n // _BN
    h = hin.shape[1]
    g = meta_p.shape[0]
    mp = meta_p.shape[1]
    k1 = wh1g.shape[1]
    k2 = wh2.shape[1]
    k3 = wh3.shape[1]

    def body(aref, cref, href, bref, mref, wref, b2ref, wgref, wmref, b1ref,
             w2ref, bt2ref, w3ref, bt3ref, oref, yref, pool, gc):
        i = pl.program_id(0)
        cs = cref[0] + cref[1]
        inv = 1.0 / jnp.maximum(cs[:, 0:1], 1.0)
        xa = jnp.concatenate([aref[0] * inv, aref[1] * inv,
                              aref[2] * inv, aref[3] * inv, href[...]], axis=1)
        hh = jnp.maximum(
            jnp.dot(xa.astype(jnp.bfloat16), wref[...].astype(jnp.bfloat16),
                    preferred_element_type=jnp.float32)
            + b2ref[...], 0.0)
        oref[...] = hh

        bb = bref[0]
        oh = (lax.broadcasted_iota(jnp.int32, (g, _BN), 0) == bb
              ).astype(jnp.float32)

        @pl.when(i == 0)
        def _():
            pool[...] = jnp.zeros_like(pool)
            gc[...] = jnp.zeros_like(gc)

        pool[...] += jnp.dot(oh, hh, preferred_element_type=jnp.float32)
        gc[...] += jnp.broadcast_to(jnp.sum(oh, axis=1, keepdims=True), gc.shape)

        @pl.when(i == grid - 1)
        def _():
            gmean = pool[...] / jnp.maximum(gc[...][:, 0:1], 1.0)
            t1 = jnp.maximum(
                jnp.dot(gmean, wgref[...], preferred_element_type=jnp.float32)
                + jnp.dot(mref[...], wmref[...], preferred_element_type=jnp.float32)
                + b1ref[...], 0.0)
            t2 = jnp.maximum(
                jnp.dot(t1, w2ref[...], preferred_element_type=jnp.float32)
                + bt2ref[...], 0.0)
            yref[...] = (jnp.dot(t2, w3ref[...], preferred_element_type=jnp.float32)
                         + bt3ref[...])

    return pl.pallas_call(
        body,
        grid=(grid,),
        in_specs=[
            pl.BlockSpec((4, _BN, 128), lambda i: (0, i, 0)),
            pl.BlockSpec((2, _BN, 128), lambda i: (0, i, 0)),
            pl.BlockSpec((_BN, h), lambda i: (i, 0)),
            pl.BlockSpec((1, 1, _BN), lambda i: (i, 0, 0)),
            pl.BlockSpec((g, mp), lambda i: (0, 0)),
            pl.BlockSpec((2 * h, h), lambda i: (0, 0)),
            pl.BlockSpec((1, h), lambda i: (0, 0)),
            pl.BlockSpec((h, k1), lambda i: (0, 0)),
            pl.BlockSpec((mp, k1), lambda i: (0, 0)),
            pl.BlockSpec((1, k1), lambda i: (0, 0)),
            pl.BlockSpec((k1, k2), lambda i: (0, 0)),
            pl.BlockSpec((1, k2), lambda i: (0, 0)),
            pl.BlockSpec((k2, k3), lambda i: (0, 0)),
            pl.BlockSpec((1, k3), lambda i: (0, 0)),
        ],
        out_specs=[
            pl.BlockSpec((_BN, h), lambda i: (i, 0)),
            pl.BlockSpec((g, k3), lambda i: (0, 0)),
        ],
        out_shape=[
            jax.ShapeDtypeStruct((n, h), jnp.float32),
            jax.ShapeDtypeStruct((g, k3), jnp.float32),
        ],
        scratch_shapes=[
            pltpu.VMEM((g, h), jnp.float32),
            pltpu.VMEM((g, 128), jnp.float32),
        ],
        compiler_params=pltpu.CompilerParams(dimension_semantics=("arbitrary",)),
    )(agg, cnt, hin, batch3, meta_p, w_cat, b_row,
      wh1g, wh1m, bh1r, wh2, bh2r, wh3, bh3r)


def kernel(x, edge_index, batch, meta, Wl1, Wr1, b1, Wl2, Wr2, b2,
           Wh1, bh1, Wh2, bh2, Wh3, bh3):
    n, d = x.shape
    e = edge_index.shape[1]
    h = Wl1.shape[1]
    g, m = meta.shape
    npad = _npad(n)

    ept_pad = e // _NS
    src_pk = edge_index[0].reshape(_NS, ept_pad)
    dst3 = edge_index[1].reshape(_NS, ept_pad // _EK, _EK)
    zrows = jnp.zeros((npad // _NS, 128), jnp.float32)
    ones = jnp.ones((_EK, 128), jnp.float32)

    xflat = x.reshape(n * (d // 128), 128)
    agg1f, cntf = _build_sc_agg(n, ept_pad, d // 128, with_cnt=True)(
        xflat, src_pk, dst3, zrows, ones)
    agg1 = agg1f.reshape(d // 128, npad, 128)
    cnt = cntf.reshape(2, npad, 128)
    w1cat = jnp.concatenate([Wl1, Wr1], axis=0)
    h1 = _tc_sage1(agg1, cnt, x, w1cat, b1.reshape(1, h))

    hflat = h1.reshape(n * (h // 128), 128)
    agg2 = _build_sc_agg(n, ept_pad, h // 128)(
        hflat, src_pk, dst3, zrows).reshape(h // 128, npad, 128)
    w2cat = jnp.concatenate([Wl2, Wr2], axis=0)
    batch3 = batch.reshape(n // _BN, 1, _BN)
    meta_p = jnp.pad(meta, ((0, 0), (0, 8 - m)))
    wh1g = Wh1[:h]
    wh1m = jnp.pad(Wh1[h:], ((0, 8 - m), (0, 0)))
    node_emb, yhat = _tc_sage2_pool_head(
        agg2, cnt, h1, batch3, meta_p, w2cat, b2.reshape(1, h),
        wh1g, wh1m, bh1.reshape(1, -1), Wh2, bh2.reshape(1, -1),
        Wh3, bh3.reshape(1, -1))
    return yhat, node_emb

# --- scband reference (transcript-rebuilt; emitter-appended) ---
"""Pipeline reference for scband-pignn-73761768341857 (READ-ONLY COPY).

The authoritative reference and input builder live on the scoring server;
editing this copy changes nothing except your own understanding.
"""

import jax, jax.numpy as jnp
import numpy as np

N, E, D, H, G, M = 10000, 160000, 256, 512, 16, 5


def setup_inputs(seed: int = 0) -> dict:
    key = jax.random.key(seed)
    ks = jax.random.split(key, 12)
    x = jax.random.normal(ks[0], (N, D), dtype=jnp.float32)
    edge_index = jax.random.randint(ks[1], (2, E), 0, N, dtype=jnp.int32)
    batch = jnp.sort(jax.random.randint(ks[2], (N,), 0, G, dtype=jnp.int32))
    meta = jax.random.normal(ks[3], (G, M), dtype=jnp.float32)
    def w(k, shape):
        return jax.random.normal(k, shape, dtype=jnp.float32) * 0.05
    Wl1 = w(ks[4], (D, H)); Wr1 = w(ks[5], (D, H)); b1 = jnp.zeros((H,), jnp.float32)
    Wl2 = w(ks[6], (H, H)); Wr2 = w(ks[7], (H, H)); b2 = jnp.zeros((H,), jnp.float32)
    Wh1 = w(ks[8], (H + M, 128)); bh1 = jnp.zeros((128,), jnp.float32)
    Wh2 = w(ks[9], (128, 64)); bh2 = jnp.zeros((64,), jnp.float32)
    Wh3 = w(ks[10], (64, 3)); bh3 = jnp.zeros((3,), jnp.float32)
    return {"x": x, "edge_index": edge_index, "batch": batch, "meta": meta,
            "Wl1": Wl1, "Wr1": Wr1, "b1": b1, "Wl2": Wl2, "Wr2": Wr2, "b2": b2,
            "Wh1": Wh1, "bh1": bh1, "Wh2": Wh2, "bh2": bh2, "Wh3": Wh3, "bh3": bh3}


def _sage(x, ei, Wl, Wr, b):
    # PyG SAGEConv: out = lin_l(mean_aggr(x_j)) + lin_r(x_i)
    src, dst = ei[0], ei[1]
    msgs = jnp.take(x, src, axis=0)
    agg = jax.ops.segment_sum(msgs, dst, num_segments=x.shape[0])
    cnt = jax.ops.segment_sum(jnp.ones((ei.shape[1],), x.dtype), dst, num_segments=x.shape[0])
    agg = agg / jnp.clip(cnt, 1.0)[:, None]
    return agg @ Wl + x @ Wr + b


def reference(x, edge_index, batch, meta, Wl1, Wr1, b1, Wl2, Wr2, b2, Wh1, bh1, Wh2, bh2, Wh3, bh3):
    num_graphs = meta.shape[0]
    h = jax.nn.relu(_sage(x, edge_index, Wl1, Wr1, b1))
    h = jax.nn.relu(_sage(h, edge_index, Wl2, Wr2, b2))
    node_emb = h
    gsum = jax.ops.segment_sum(node_emb, batch, num_segments=num_graphs)
    gcnt = jax.ops.segment_sum(jnp.ones((node_emb.shape[0],), node_emb.dtype), batch, num_segments=num_graphs)
    g = gsum / jnp.clip(gcnt, 1.0)[:, None]
    g = jnp.concatenate([g, meta], axis=1)
    h1 = jax.nn.relu(g @ Wh1 + bh1)
    h2 = jax.nn.relu(h1 @ Wh2 + bh2)
    yhat = h2 @ Wh3 + bh3
    return (yhat, node_emb)

if __name__ == "__main__":
    import jax
    _d = setup_inputs()
    print(jax.jit(kernel)(*tuple(_d.values())))

</pallas_src>

<mosaic_0001>
#map = affine_map<(d0, d1) -> (0, 0)>
#map1 = affine_map<(d0, d1) -> (0, 0, 0)>
module attributes {stable_mosaic.version = 14 : i64} {
  func.func @body(%arg0: i32, %arg1: i32, %arg2: memref<20000x128xf32, #tpu.memory_space<hbm>>, %arg3: memref<16x10000xi32, #tpu.memory_space<hbm>>, %arg4: memref<16x125x80xi32, #tpu.memory_space<hbm>>, %arg5: memref<632x128xf32, #tpu.memory_space<hbm>>, %arg6: memref<80x128xf32, #tpu.memory_space<hbm>>, %arg7: memref<20224x128xf32, #tpu.memory_space<hbm>>, %arg8: memref<20224x128xf32, #tpu.memory_space<hbm>>, %arg9: memref<10112x128xf32, #tpu.memory_space<vmem_shared>>, %arg10: memref<10000xi32, #tpu.memory_space<vmem>>, %arg11: memref<125x80xi32, #tpu.memory_space<vmem>>, %arg12: memref<80x128xf32, #tpu.memory_space<vmem>>, %arg13: memref<80x128xf32, #tpu.memory_space<vmem>>, %arg14: memref<!tpu.dma_semaphore, #tpu.memory_space<semaphore_mem>>, %arg15: memref<!tpu.dma_semaphore, #tpu.memory_space<semaphore_mem>>, %arg16: memref<!tpu.dma_semaphore, #tpu.memory_space<semaphore_mem>>, %arg17: memref<!tpu.dma_semaphore, #tpu.memory_space<semaphore_mem>>) attributes {dimension_semantics = [#tpu.dimension_semantics<core_parallel>, #tpu.dimension_semantics<subcore_parallel>], iteration_bounds = array<i64: 2, 16>, scalar_prefetch = 0 : i64, scratch_operands = 9 : i64, tpu.core_type = #tpu.core_type<sc_vector_subcore>, window_params = [{transform_indices = #map}, {transform_indices = #map}, {transform_indices = #map1}, {transform_indices = #map}, {transform_indices = #map}, {transform_indices = #map}, {transform_indices = #map}]} {
    %mul3A = arith.constant 632 : i32
    %mul3A_0 = arith.muli %arg1, %mul3A : i32
    "tpu.region"() ({
      %run_scoped3A = tpu.sem_alloc : memref<!tpu.dma_semaphore, #tpu.memory_space<semaphore_mem>>
      %dma_start3A_47 = arith.constant 0 : i32
      %dma_start3A_48 = tpu.memref_slice %arg3[%arg1, %dma_start3A_47] : memref<16x10000xi32, #tpu.memory_space<hbm>> -> memref<1x10000xi32, #tpu.memory_space<hbm>>
      %dma_start3A_49 = tpu.memref_squeeze %dma_start3A_48 : memref<1x10000xi32, #tpu.memory_space<hbm>> -> memref<10000xi32, #tpu.memory_space<hbm>>
      %dma_start3A_50 = arith.constant 0 : i32
      %dma_start3A_51 = tpu.memref_slice %arg3[%arg1, %dma_start3A_50] : memref<16x10000xi32, #tpu.memory_space<hbm>> -> memref<1x10000xi32, #tpu.memory_space<hbm>>
      %dma_start3A_52 = tpu.memref_squeeze %dma_start3A_51 : memref<1x10000xi32, #tpu.memory_space<hbm>> -> memref<10000xi32, #tpu.memory_space<hbm>>
      tpu.enqueue_dma source(%dma_start3A_52 : memref<10000xi32, #tpu.memory_space<hbm>>) target(%arg10 : memref<10000xi32, #tpu.memory_space<vmem>>) target_semaphore(%run_scoped3A : memref<!tpu.dma_semaphore, #tpu.memory_space<semaphore_mem>>)
      %dma_wait3A_53 = arith.constant 0 : i32
      %dma_wait3A_54 = tpu.memref_slice %arg3[%arg1, %dma_wait3A_53] : memref<16x10000xi32, #tpu.memory_space<hbm>> -> memref<1x10000xi32, #tpu.memory_space<hbm>>
      %dma_wait3A_55 = tpu.memref_squeeze %dma_wait3A_54 : memref<1x10000xi32, #tpu.memory_space<hbm>> -> memref<10000xi32, #tpu.memory_space<hbm>>
      %dma_wait3A_56 = arith.constant 0 : i32
      %dma_wait3A_57 = tpu.memref_slice %arg3[%arg1, %dma_wait3A_56] : memref<16x10000xi32, #tpu.memory_space<hbm>> -> memref<1x10000xi32, #tpu.memory_space<hbm>>
      %dma_wait3A_58 = tpu.memref_squeeze %dma_wait3A_57 : memref<1x10000xi32, #tpu.memory_space<hbm>> -> memref<10000xi32, #tpu.memory_space<hbm>>
      tpu.wait_dma2 semaphore(%run_scoped3A : memref<!tpu.dma_semaphore, #tpu.memory_space<semaphore_mem>>) src(%dma_wait3A_58 : memref<10000xi32, #tpu.memory_space<hbm>>) dst(%arg10 : memref<10000xi32, #tpu.memory_space<vmem>>)
      tpu.yield
    }) : () -> ()
    "tpu.region"() ({
      %run_scoped3A = tpu.sem_alloc : memref<!tpu.dma_semaphore, #tpu.memory_space<semaphore_mem>>
      %dma_start3A_47 = arith.constant 0 : i32
      %dma_start3A_48 = arith.constant 0 : i32
      %dma_start3A_49 = tpu.memref_slice %arg4[%arg1, %dma_start3A_47, %dma_start3A_48] : memref<16x125x80xi32, #tpu.memory_space<hbm>> -> memref<1x125x80xi32, #tpu.memory_space<hbm>>
      %dma_start3A_50 = tpu.memref_squeeze %dma_start3A_49 : memref<1x125x80xi32, #tpu.memory_space<hbm>> -> memref<125x80xi32, #tpu.memory_space<hbm>>
      %dma_start3A_51 = arith.constant 0 : i32
      %dma_start3A_52 = arith.constant 0 : i32
      %dma_start3A_53 = tpu.memref_slice %arg4[%arg1, %dma_start3A_51, %dma_start3A_52] : memref<16x125x80xi32, #tpu.memory_space<hbm>> -> memref<1x125x80xi32, #tpu.memory_space<hbm>>
      %dma_start3A_54 = tpu.memref_squeeze %dma_start3A_53 : memref<1x125x80xi32, #tpu.memory_space<hbm>> -> memref<125x80xi32, #tpu.memory_space<hbm>>
      tpu.enqueue_dma source(%dma_start3A_54 : memref<125x80xi32, #tpu.memory_space<hbm>>) target(%arg11 : memref<125x80xi32, #tpu.memory_space<vmem>>) target_semaphore(%run_scoped3A : memref<!tpu.dma_semaphore, #tpu.memory_space<semaphore_mem>>)
      %dma_wait3A_55 = arith.constant 0 : i32
      %dma_wait3A_56 = arith.constant 0 : i32
      %dma_wait3A_57 = tpu.memref_slice %arg4[%arg1, %dma_wait3A_55, %dma_wait3A_56] : memref<16x125x80xi32, #tpu.memory_space<hbm>> -> memref<1x125x80xi32, #tpu.memory_space<hbm>>
      %dma_wait3A_58 = tpu.memref_squeeze %dma_wait3A_57 : memref<1x125x80xi32, #tpu.memory_space<hbm>> -> memref<125x80xi32, #tpu.memory_space<hbm>>
      %dma_wait3A_59 = arith.constant 0 : i32
      %dma_wait3A_60 = arith.constant 0 : i32
      %dma_wait3A_61 = tpu.memref_slice %arg4[%arg1, %dma_wait3A_59, %dma_wait3A_60] : memref<16x125x80xi32, #tpu.memory_space<hbm>> -> memref<1x125x80xi32, #tpu.memory_space<hbm>>
      %dma_wait3A_62 = tpu.memref_squeeze %dma_wait3A_61 : memref<1x125x80xi32, #tpu.memory_space<hbm>> -> memref<125x80xi32, #tpu.memory_space<hbm>>
      tpu.wait_dma2 semaphore(%run_scoped3A : memref<!tpu.dma_semaphore, #tpu.memory_space<semaphore_mem>>) src(%dma_wait3A_62 : memref<125x80xi32, #tpu.memory_space<hbm>>) dst(%arg11 : memref<125x80xi32, #tpu.memory_space<vmem>>)
      tpu.yield
    }) : () -> ()
    "tpu.region"() ({
      %run_scoped3A = tpu.sem_alloc : memref<!tpu.dma_semaphore, #tpu.memory_space<semaphore_mem>>
      tpu.enqueue_dma source(%arg6 : memref<80x128xf32, #tpu.memory_space<hbm>>) target(%arg12 : memref<80x128xf32, #tpu.memory_space<vmem>>) target_semaphore(%run_scoped3A : memref<!tpu.dma_semaphore, #tpu.memory_space<semaphore_mem>>)
      tpu.wait_dma2 semaphore(%run_scoped3A : memref<!tpu.dma_semaphore, #tpu.memory_space<semaphore_mem>>) src(%arg6 : memref<80x128xf32, #tpu.memory_space<hbm>>) dst(%arg12 : memref<80x128xf32, #tpu.memory_space<vmem>>)
      tpu.yield
    }) : () -> ()
    "tpu.region"() ({
      %run_scoped3A = tpu.sem_alloc : memref<!tpu.dma_semaphore, #tpu.memory_space<semaphore_mem>>
      %dma_start3A_47 = arith.constant 0 : i32
      %dma_start3A_48 = tpu.memref_slice %arg9[%mul3A_0, %dma_start3A_47] : memref<10112x128xf32, #tpu.memory_space<vmem_shared>> -> memref<632x128xf32, #tpu.memory_space<vmem_shared>>
      tpu.enqueue_dma source(%arg5 : memref<632x128xf32, #tpu.memory_space<hbm>>) target(%dma_start3A_48 : memref<632x128xf32, #tpu.memory_space<vmem_shared>>) target_semaphore(%run_scoped3A : memref<!tpu.dma_semaphore, #tpu.memory_space<semaphore_mem>>)
      %dma_wait3A_49 = arith.constant 0 : i32
      %dma_wait3A_50 = tpu.memref_slice %arg9[%mul3A_0, %dma_wait3A_49] : memref<10112x128xf32, #tpu.memory_space<vmem_shared>> -> memref<632x128xf32, #tpu.memory_space<vmem_shared>>
      tpu.wait_dma2 semaphore(%run_scoped3A : memref<!tpu.dma_semaphore, #tpu.memory_space<semaphore_mem>>) src(%arg5 : memref<632x128xf32, #tpu.memory_space<hbm>>) dst(%dma_wait3A_50 : memref<632x128xf32, #tpu.memory_space<vmem_shared>>)
      tpu.yield
    }) : () -> ()
    %barrier3A = arith.constant 0 : index
    tpu.barrier barrier_id(%barrier3A)
    %scan3A = arith.constant 0 : i32
    %scan3A_1 = arith.constant 0 : i32
    %scan3A_2 = arith.constant 125 : i32
    %scan3A_3 = arith.addi %scan3A_1, %scan3A_2 : i32
    %scan3A_4 = arith.constant 1 : i32
    scf.for %scan3A_47 = %scan3A_1 to %scan3A_3 step %scan3A_4  : i32 {
      %rem3A = arith.constant 2 : i32
      %rem3A_48 = arith.remsi %scan3A_47, %rem3A : i32
      %eq3A = arith.cmpi eq, %rem3A_48, %arg0 : i32
      %convert_element_type3A = arith.extui %eq3A : i1 to i32
      %cond3A = arith.constant 0 : i32
      %cond3A_49 = arith.cmpi ne, %convert_element_type3A, %cond3A : i32
      scf.if %cond3A_49 {
        "tpu.region"() ({
          %run_scoped3A = tpu.sem_alloc : memref<!tpu.dma_semaphore, #tpu.memory_space<semaphore_mem>>
          %dma_start3A_50 = arith.constant 0 : i32
          %dma_start3A_51 = tpu.memref_slice %arg11[%scan3A_47, %dma_start3A_50] : memref<125x80xi32, #tpu.memory_space<vmem>> -> memref<1x80xi32, #tpu.memory_space<vmem>>
          %dma_start3A_52 = tpu.memref_squeeze %dma_start3A_51 : memref<1x80xi32, #tpu.memory_space<vmem>> -> memref<80xi32, #tpu.memory_space<vmem>>
          %dma_start3A_53 = arith.constant 0 : i32
          %dma_start3A_54 = arith.constant 0 : i32
          %dma_start3A_55 = tpu.memref_slice %arg9[%dma_start3A_53, %dma_start3A_54] : memref<10112x128xf32, #tpu.memory_space<vmem_shared>> -> memref<10112x128xf32, #tpu.memory_space<vmem_shared>>
          tpu.enqueue_indirect_dma source(%arg12 : memref<80x128xf32, #tpu.memory_space<vmem>>) target(%dma_start3A_55 : memref<10112x128xf32, #tpu.memory_space<vmem_shared>>) offsets(%dma_start3A_52 : memref<80xi32, #tpu.memory_space<vmem>>) semaphore(%run_scoped3A : memref<!tpu.dma_semaphore, #tpu.memory_space<semaphore_mem>>) {add = true}
          %dma_wait3A_56 = arith.constant 0 : i32
          %dma_wait3A_57 = tpu.memref_slice %arg11[%scan3A_47, %dma_wait3A_56] : memref<125x80xi32, #tpu.memory_space<vmem>> -> memref<1x80xi32, #tpu.memory_space<vmem>>
          %dma_wait3A_58 = tpu.memref_squeeze %dma_wait3A_57 : memref<1x80xi32, #tpu.memory_space<vmem>> -> memref<80xi32, #tpu.memory_space<vmem>>
          %dma_wait3A_59 = arith.constant 0 : i32
          %dma_wait3A_60 = arith.constant 0 : i32
          %dma_wait3A_61 = tpu.memref_slice %arg9[%dma_wait3A_59, %dma_wait3A_60] : memref<10112x128xf32, #tpu.memory_space<vmem_shared>> -> memref<10112x128xf32, #tpu.memory_space<vmem_shared>>
          tpu.wait_indirect_dma semaphore(%run_scoped3A : memref<!tpu.dma_semaphore, #tpu.memory_space<semaphore_mem>>) src(%arg12 : memref<80x128xf32, #tpu.memory_space<vmem>>) dst(%dma_wait3A_61 : memref<10112x128xf32, #tpu.memory_space<vmem_shared>>)
          tpu.yield
        }) : () -> ()
      } else {
      }
    }
    %scan3A_5 = arith.constant 125 : i32
    %barrier3A_6 = arith.constant 0 : index
    tpu.barrier barrier_id(%barrier3A_6)
    %mul3A_7 = arith.constant 10112 : i32
    %mul3A_8 = arith.muli %arg0, %mul3A_7 : i32
    %add3A = arith.addi %mul3A_8, %mul3A_0 : i32
    "tpu.region"() ({
      %run_scoped3A = tpu.sem_alloc : memref<!tpu.dma_semaphore, #tpu.memory_space<semaphore_mem>>
      %dma_start3A_47 = arith.constant 0 : i32
      %dma_start3A_48 = tpu.memref_slice %arg8[%add3A, %dma_start3A_47] : memref<20224x128xf32, #tpu.memory_space<hbm>> -> memref<632x128xf32, #tpu.memory_space<hbm>>
      %dma_start3A_49 = arith.constant 0 : i32
      %dma_start3A_50 = tpu.memref_slice %arg9[%mul3A_0, %dma_start3A_49] : memref<10112x128xf32, #tpu.memory_space<vmem_shared>> -> memref<632x128xf32, #tpu.memory_space<vmem_shared>>
      tpu.enqueue_dma source(%dma_start3A_50 : memref<632x128xf32, #tpu.memory_space<vmem_shared>>) target(%dma_start3A_48 : memref<632x128xf32, #tpu.memory_space<hbm>>) target_semaphore(%run_scoped3A : memref<!tpu.dma_semaphore, #tpu.memory_space<semaphore_mem>>)
      %dma_wait3A_51 = arith.constant 0 : i32
      %dma_wait3A_52 = tpu.memref_slice %arg8[%add3A, %dma_wait3A_51] : memref<20224x128xf32, #tpu.memory_space<hbm>> -> memref<632x128xf32, #tpu.memory_space<hbm>>
      %dma_wait3A_53 = arith.constant 0 : i32
      %dma_wait3A_54 = tpu.memref_slice %arg9[%mul3A_0, %dma_wait3A_53] : memref<10112x128xf32, #tpu.memory_space<vmem_shared>> -> memref<632x128xf32, #tpu.memory_space<vmem_shared>>
      tpu.wait_dma2 semaphore(%run_scoped3A : memref<!tpu.dma_semaphore, #tpu.memory_space<semaphore_mem>>) src(%dma_wait3A_54 : memref<632x128xf32, #tpu.memory_space<vmem_shared>>) dst(%dma_wait3A_52 : memref<632x128xf32, #tpu.memory_space<hbm>>)
      tpu.yield
    }) : () -> ()
    %barrier3A_9 = arith.constant 0 : index
    tpu.barrier barrier_id(%barrier3A_9)
    %add3A_10 = arith.constant 0 : i32
    %add3A_11 = arith.addi %arg0, %add3A_10 : i32
    %scan3A_12 = arith.constant 0 : i32
    %scan3A_13 = arith.constant 0 : i32
    %scan3A_14 = arith.constant 625 : i32
    %scan3A_15 = arith.addi %scan3A_13, %scan3A_14 : i32
    %scan3A_16 = arith.constant 1 : i32
    scf.for %scan3A_47 = %scan3A_13 to %scan3A_15 step %scan3A_16  : i32 {
      %mul3A_48 = arith.constant 16 : i32
      %mul3A_49 = arith.muli %scan3A_47, %mul3A_48 : i32
      %get3A = arith.index_cast %mul3A_49 : i32 to index
      %get3A_50 = tpu.vector_load %arg10[%get3A] {strides = array<i32>} : memref<10000xi32, #tpu.memory_space<vmem>>, vector<16xi32>,
      %get3A_51 = vector.shape_cast %get3A_50 : vector<16xi32> to vector<16xi32>
      %mul3A_52 = arith.constant 2 : i32
      %mul3A_53 = vector.broadcast %mul3A_52 : i32 to vector<16xi32>
      %mul3A_54 = arith.muli %get3A_51, %mul3A_53 : vector<16xi32>
      %add3A_55 = vector.broadcast %add3A_11 : i32 to vector<16xi32>
      %add3A_56 = arith.addi %mul3A_54, %add3A_55 : vector<16xi32>
      %swap3A = arith.index_cast %mul3A_49 : i32 to index
      %swap3A_57 = tpu.vector_load %arg10[%swap3A] {strides = array<i32>} : memref<10000xi32, #tpu.memory_space<vmem>>, vector<16xi32>,
      %swap3A_58 = vector.shape_cast %swap3A_57 : vector<16xi32> to vector<16xi32>
      %swap3A_59 = vector.shape_cast %add3A_56 : vector<16xi32> to vector<16xi32>
      tpu.vector_store %arg10[%swap3A], %swap3A_59 {strides = array<i32>} : memref<10000xi32, #tpu.memory_space<vmem>>, vector<16xi32>,
    }
    %scan3A_17 = arith.constant 625 : i32
    "tpu.region"() ({
      %run_scoped3A = tpu.sem_alloc : memref<!tpu.dma_semaphore, #tpu.memory_space<semaphore_mem>>
      %dma_start3A_47 = arith.constant 0 : i32
      %dma_start3A_48 = tpu.memref_slice %arg9[%mul3A_0, %dma_start3A_47] : memref<10112x128xf32, #tpu.memory_space<vmem_shared>> -> memref<632x128xf32, #tpu.memory_space<vmem_shared>>
      tpu.enqueue_dma source(%arg5 : memref<632x128xf32, #tpu.memory_space<hbm>>) target(%dma_start3A_48 : memref<632x128xf32, #tpu.memory_space<vmem_shared>>) target_semaphore(%run_scoped3A : memref<!tpu.dma_semaphore, #tpu.memory_space<semaphore_mem>>)
      %dma_wait3A_49 = arith.constant 0 : i32
      %dma_wait3A_50 = tpu.memref_slice %arg9[%mul3A_0, %dma_wait3A_49] : memref<10112x128xf32, #tpu.memory_space<vmem_shared>> -> memref<632x128xf32, #tpu.memory_space<vmem_shared>>
      tpu.wait_dma2 semaphore(%run_scoped3A : memref<!tpu.dma_semaphore, #tpu.memory_space<semaphore_mem>>) src(%arg5 : memref<632x128xf32, #tpu.memory_space<hbm>>) dst(%dma_wait3A_50 : memref<632x128xf32, #tpu.memory_space<vmem_shared>>)
      tpu.yield
    }) : () -> ()
    %barrier3A_18 = arith.constant 0 : index
    tpu.barrier barrier_id(%barrier3A_18)
    %dma_start3A = arith.constant 0 : i32
    %dma_start3A_19 = tpu.memref_slice %arg10[%dma_start3A] : memref<10000xi32, #tpu.memory_space<vmem>> -> memref<80xi32, #tpu.memory_space<vmem>>
    %dma_start3A_20 = arith.constant 0 : i32
    %dma_start3A_21 = arith.constant 0 : i32
    %dma_start3A_22 = tpu.memref_slice %arg2[%dma_start3A_20, %dma_start3A_21] : memref<20000x128xf32, #tpu.memory_space<hbm>> -> memref<20000x128xf32, #tpu.memory_space<hbm>>
    tpu.enqueue_indirect_dma source(%dma_start3A_22 : memref<20000x128xf32, #tpu.memory_space<hbm>>) target(%arg12 : memref<80x128xf32, #tpu.memory_space<vmem>>) offsets(%dma_start3A_19 : memref<80xi32, #tpu.memory_space<vmem>>) semaphore(%arg14 : memref<!tpu.dma_semaphore, #tpu.memory_space<semaphore_mem>>)
    %scan3A_23 = arith.constant 0 : i32
    %scan3A_24 = arith.constant 0 : i32
    %scan3A_25 = arith.constant 125 : i32
    %scan3A_26 = arith.addi %scan3A_24, %scan3A_25 : i32
    %scan3A_27 = arith.constant 1 : i32
    scf.for %scan3A_47 = %scan3A_24 to %scan3A_26 step %scan3A_27  : i32 {
      %rem3A = arith.constant 2 : i32
      %rem3A_48 = arith.remsi %scan3A_47, %rem3A : i32
      %eq3A = arith.constant 0 : i32
      %eq3A_49 = arith.cmpi eq, %rem3A_48, %eq3A : i32
      %convert_element_type3A = arith.extui %eq3A_49 : i1 to i32
      %cond3A = arith.constant 0 : i32
      %cond3A_50 = arith.cmpi ne, %convert_element_type3A, %cond3A : i32
      scf.if %cond3A_50 {
        %mul3A_58 = arith.constant 80 : i32
        %mul3A_59 = arith.muli %scan3A_47, %mul3A_58 : i32
        %dma_wait3A_60 = tpu.memref_slice %arg10[%mul3A_59] : memref<10000xi32, #tpu.memory_space<vmem>> -> memref<80xi32, #tpu.memory_space<vmem>>
        %dma_wait3A_61 = arith.constant 0 : i32
        %dma_wait3A_62 = arith.constant 0 : i32
        %dma_wait3A_63 = tpu.memref_slice %arg2[%dma_wait3A_61, %dma_wait3A_62] : memref<20000x128xf32, #tpu.memory_space<hbm>> -> memref<20000x128xf32, #tpu.memory_space<hbm>>
        tpu.wait_indirect_dma semaphore(%arg14 : memref<!tpu.dma_semaphore, #tpu.memory_space<semaphore_mem>>) src(%dma_wait3A_63 : memref<20000x128xf32, #tpu.memory_space<hbm>>) dst(%arg12 : memref<80x128xf32, #tpu.memory_space<vmem>>)
        %dma_start3A_64 = arith.constant 0 : i32
        %dma_start3A_65 = tpu.memref_slice %arg11[%scan3A_47, %dma_start3A_64] : memref<125x80xi32, #tpu.memory_space<vmem>> -> memref<1x80xi32, #tpu.memory_space<vmem>>
        %dma_start3A_66 = tpu.memref_squeeze %dma_start3A_65 : memref<1x80xi32, #tpu.memory_space<vmem>> -> memref<80xi32, #tpu.memory_space<vmem>>
        %dma_start3A_67 = arith.constant 0 : i32
        %dma_start3A_68 = arith.constant 0 : i32
        %dma_start3A_69 = tpu.memref_slice %arg9[%dma_start3A_67, %dma_start3A_68] : memref<10112x128xf32, #tpu.memory_space<vmem_shared>> -> memref<10112x128xf32, #tpu.memory_space<vmem_shared>>
        tpu.enqueue_indirect_dma source(%arg12 : memref<80x128xf32, #tpu.memory_space<vmem>>) target(%dma_start3A_69 : memref<10112x128xf32, #tpu.memory_space<vmem_shared>>) offsets(%dma_start3A_66 : memref<80xi32, #tpu.memory_space<vmem>>) semaphore(%arg16 : memref<!tpu.dma_semaphore, #tpu.memory_space<semaphore_mem>>) {add = true}
        %add3A_70 = arith.constant 1 : i32
        %add3A_71 = arith.addi %scan3A_47, %add3A_70 : i32
        %lt3A = arith.constant 125 : i32
        %lt3A_72 = arith.cmpi slt, %add3A_71, %lt3A : i32
        %convert_element_type3A_73 = arith.extui %lt3A_72 : i1 to i32
        %cond3A_74 = arith.constant 0 : i32
        %cond3A_75 = arith.cmpi ne, %convert_element_type3A_73, %cond3A_74 : i32
        scf.if %cond3A_75 {
          %ge3A = arith.constant 1 : i32
          %ge3A_76 = arith.cmpi sge, %scan3A_47, %ge3A : i32
          %convert_element_type3A_77 = arith.extui %ge3A_76 : i1 to i32
          %cond3A_78 = arith.constant 0 : i32
          %cond3A_79 = arith.cmpi ne, %convert_element_type3A_77, %cond3A_78 : i32
          scf.if %cond3A_79 {
            %dma_wait3A_88 = arith.constant 0 : i32
            %dma_wait3A_89 = arith.constant 0 : i32
            %dma_wait3A_90 = tpu.memref_slice %arg11[%dma_wait3A_88, %dma_wait3A_89] : memref<125x80xi32, #tpu.memory_space<vmem>> -> memref<1x80xi32, #tpu.memory_space<vmem>>
            %dma_wait3A_91 = tpu.memref_squeeze %dma_wait3A_90 : memref<1x80xi32, #tpu.memory_space<vmem>> -> memref<80xi32, #tpu.memory_space<vmem>>
            %dma_wait3A_92 = arith.constant 0 : i32
            %dma_wait3A_93 = arith.constant 0 : i32
            %dma_wait3A_94 = tpu.memref_slice %arg9[%dma_wait3A_92, %dma_wait3A_93] : memref<10112x128xf32, #tpu.memory_space<vmem_shared>> -> memref<10112x128xf32, #tpu.memory_space<vmem_shared>>
            tpu.wait_indirect_dma semaphore(%arg17 : memref<!tpu.dma_semaphore, #tpu.memory_space<semaphore_mem>>) src(%arg13 : memref<80x128xf32, #tpu.memory_space<vmem>>) dst(%dma_wait3A_94 : memref<10112x128xf32, #tpu.memory_space<vmem_shared>>)
          } else {
          }
          %add3A_80 = arith.constant 1 : i32
          %add3A_81 = arith.addi %scan3A_47, %add3A_80 : i32
          %mul3A_82 = arith.constant 80 : i32
          %mul3A_83 = arith.muli %add3A_81, %mul3A_82 : i32
          %dma_start3A_84 = tpu.memref_slice %arg10[%mul3A_83] : memref<10000xi32, #tpu.memory_space<vmem>> -> memref<80xi32, #tpu.memory_space<vmem>>
          %dma_start3A_85 = arith.constant 0 : i32
          %dma_start3A_86 = arith.constant 0 : i32
          %dma_start3A_87 = tpu.memref_slice %arg2[%dma_start3A_85, %dma_start3A_86] : memref<20000x128xf32, #tpu.memory_space<hbm>> -> memref<20000x128xf32, #tpu.memory_space<hbm>>
          tpu.enqueue_indirect_dma source(%dma_start3A_87 : memref<20000x128xf32, #tpu.memory_space<hbm>>) target(%arg13 : memref<80x128xf32, #tpu.memory_space<vmem>>) offsets(%dma_start3A_84 : memref<80xi32, #tpu.memory_space<vmem>>) semaphore(%arg15 : memref<!tpu.dma_semaphore, #tpu.memory_space<semaphore_mem>>)
        } else {
        }
      } else {
      }
      %rem3A_51 = arith.constant 2 : i32
      %rem3A_52 = arith.remsi %scan3A_47, %rem3A_51 : i32
      %eq3A_53 = arith.constant 1 : i32
      %eq3A_54 = arith.cmpi eq, %rem3A_52, %eq3A_53 : i32
      %convert_element_type3A_55 = arith.extui %eq3A_54 : i1 to i32
      %cond3A_56 = arith.constant 0 : i32
      %cond3A_57 = arith.cmpi ne, %convert_element_type3A_55, %cond3A_56 : i32
      scf.if %cond3A_57 {
        %mul3A_58 = arith.constant 80 : i32
        %mul3A_59 = arith.muli %scan3A_47, %mul3A_58 : i32
        %dma_wait3A_60 = tpu.memref_slice %arg10[%mul3A_59] : memref<10000xi32, #tpu.memory_space<vmem>> -> memref<80xi32, #tpu.memory_space<vmem>>
        %dma_wait3A_61 = arith.constant 0 : i32
        %dma_wait3A_62 = arith.constant 0 : i32
        %dma_wait3A_63 = tpu.memref_slice %arg2[%dma_wait3A_61, %dma_wait3A_62] : memref<20000x128xf32, #tpu.memory_space<hbm>> -> memref<20000x128xf32, #tpu.memory_space<hbm>>
        tpu.wait_indirect_dma semaphore(%arg15 : memref<!tpu.dma_semaphore, #tpu.memory_space<semaphore_mem>>) src(%dma_wait3A_63 : memref<20000x128xf32, #tpu.memory_space<hbm>>) dst(%arg13 : memref<80x128xf32, #tpu.memory_space<vmem>>)
        %dma_start3A_64 = arith.constant 0 : i32
        %dma_start3A_65 = tpu.memref_slice %arg11[%scan3A_47, %dma_start3A_64] : memref<125x80xi32, #tpu.memory_space<vmem>> -> memref<1x80xi32, #tpu.memory_space<vmem>>
        %dma_start3A_66 = tpu.memref_squeeze %dma_start3A_65 : memref<1x80xi32, #tpu.memory_space<vmem>> -> memref<80xi32, #tpu.memory_space<vmem>>
        %dma_start3A_67 = arith.constant 0 : i32
        %dma_start3A_68 = arith.constant 0 : i32
        %dma_start3A_69 = tpu.memref_slice %arg9[%dma_start3A_67, %dma_start3A_68] : memref<10112x128xf32, #tpu.memory_space<vmem_shared>> -> memref<10112x128xf32, #tpu.memory_space<vmem_shared>>
        tpu.enqueue_indirect_dma source(%arg13 : memref<80x128xf32, #tpu.memory_space<vmem>>) target(%dma_start3A_69 : memref<10112x128xf32, #tpu.memory_space<vmem_shared>>) offsets(%dma_start3A_66 : memref<80xi32, #tpu.memory_space<vmem>>) semaphore(%arg17 : memref<!tpu.dma_semaphore, #tpu.memory_space<semaphore_mem>>) {add = true}
        %add3A_70 = arith.constant 1 : i32
        %add3A_71 = arith.addi %scan3A_47, %add3A_70 : i32
        %lt3A = arith.constant 125 : i32
        %lt3A_72 = arith.cmpi slt, %add3A_71, %lt3A : i32
        %convert_element_type3A_73 = arith.extui %lt3A_72 : i1 to i32
        %cond3A_74 = arith.constant 0 : i32
        %cond3A_75 = arith.cmpi ne, %convert_element_type3A_73, %cond3A_74 : i32
        scf.if %cond3A_75 {
          %ge3A = arith.constant 1 : i32
          %ge3A_76 = arith.cmpi sge, %scan3A_47, %ge3A : i32
          %convert_element_type3A_77 = arith.extui %ge3A_76 : i1 to i32
          %cond3A_78 = arith.constant 0 : i32
          %cond3A_79 = arith.cmpi ne, %convert_element_type3A_77, %cond3A_78 : i32
          scf.if %cond3A_79 {
            %dma_wait3A_88 = arith.constant 0 : i32
            %dma_wait3A_89 = arith.constant 0 : i32
            %dma_wait3A_90 = tpu.memref_slice %arg11[%dma_wait3A_88, %dma_wait3A_89] : memref<125x80xi32, #tpu.memory_space<vmem>> -> memref<1x80xi32, #tpu.memory_space<vmem>>
            %dma_wait3A_91 = tpu.memref_squeeze %dma_wait3A_90 : memref<1x80xi32, #tpu.memory_space<vmem>> -> memref<80xi32, #tpu.memory_space<vmem>>
            %dma_wait3A_92 = arith.constant 0 : i32
            %dma_wait3A_93 = arith.constant 0 : i32
            %dma_wait3A_94 = tpu.memref_slice %arg9[%dma_wait3A_92, %dma_wait3A_93] : memref<10112x128xf32, #tpu.memory_space<vmem_shared>> -> memref<10112x128xf32, #tpu.memory_space<vmem_shared>>
            tpu.wait_indirect_dma semaphore(%arg16 : memref<!tpu.dma_semaphore, #tpu.memory_space<semaphore_mem>>) src(%arg12 : memref<80x128xf32, #tpu.memory_space<vmem>>) dst(%dma_wait3A_94 : memref<10112x128xf32, #tpu.memory_space<vmem_shared>>)
          } else {
          }
          %add3A_80 = arith.constant 1 : i32
          %add3A_81 = arith.addi %scan3A_47, %add3A_80 : i32
          %mul3A_82 = arith.constant 80 : i32
          %mul3A_83 = arith.muli %add3A_81, %mul3A_82 : i32
          %dma_start3A_84 = tpu.memref_slice %arg10[%mul3A_83] : memref<10000xi32, #tpu.memory_space<vmem>> -> memref<80xi32, #tpu.memory_space<vmem>>
          %dma_start3A_85 = arith.constant 0 : i32
          %dma_start3A_86 = arith.constant 0 : i32
          %dma_start3A_87 = tpu.memref_slice %arg2[%dma_start3A_85, %dma_start3A_86] : memref<20000x128xf32, #tpu.memory_space<hbm>> -> memref<20000x128xf32, #tpu.memory_space<hbm>>
          tpu.enqueue_indirect_dma source(%dma_start3A_87 : memref<20000x128xf32, #tpu.memory_space<hbm>>) target(%arg12 : memref<80x128xf32, #tpu.memory_space<vmem>>) offsets(%dma_start3A_84 : memref<80xi32, #tpu.memory_space<vmem>>) semaphore(%arg14 : memref<!tpu.dma_semaphore, #tpu.memory_space<semaphore_mem>>)
        } else {
        }
      } else {
      }
    }
    %scan3A_28 = arith.constant 125 : i32
    %dma_wait3A = arith.constant 0 : i32
    %dma_wait3A_29 = arith.constant 0 : i32
    %dma_wait3A_30 = tpu.memref_slice %arg11[%dma_wait3A, %dma_wait3A_29] : memref<125x80xi32, #tpu.memory_space<vmem>> -> memref<1x80xi32, #tpu.memory_space<vmem>>
    %dma_wait3A_31 = tpu.memref_squeeze %dma_wait3A_30 : memref<1x80xi32, #tpu.memory_space<vmem>> -> memref<80xi32, #tpu.memory_space<vmem>>
    %dma_wait3A_32 = arith.constant 0 : i32
    %dma_wait3A_33 = arith.constant 0 : i32
    %dma_wait3A_34 = tpu.memref_slice %arg9[%dma_wait3A_32, %dma_wait3A_33] : memref<10112x128xf32, #tpu.memory_space<vmem_shared>> -> memref<10112x128xf32, #tpu.memory_space<vmem_shared>>
    tpu.wait_indirect_dma semaphore(%arg16 : memref<!tpu.dma_semaphore, #tpu.memory_space<semaphore_mem>>) src(%arg12 : memref<80x128xf32, #tpu.memory_space<vmem>>) dst(%dma_wait3A_34 : memref<10112x128xf32, #tpu.memory_space<vmem_shared>>)
    %dma_wait3A_35 = arith.constant 0 : i32
    %dma_wait3A_36 = arith.constant 0 : i32
    %dma_wait3A_37 = tpu.memref_slice %arg11[%dma_wait3A_35, %dma_wait3A_36] : memref<125x80xi32, #tpu.memory_space<vmem>> -> memref<1x80xi32, #tpu.memory_space<vmem>>
    %dma_wait3A_38 = tpu.memref_squeeze %dma_wait3A_37 : memref<1x80xi32, #tpu.memory_space<vmem>> -> memref<80xi32, #tpu.memory_space<vmem>>
    %dma_wait3A_39 = arith.constant 0 : i32
    %dma_wait3A_40 = arith.constant 0 : i32
    %dma_wait3A_41 = tpu.memref_slice %arg9[%dma_wait3A_39, %dma_wait3A_40] : memref<10112x128xf32, #tpu.memory_space<vmem_shared>> -> memref<10112x128xf32, #tpu.memory_space<vmem_shared>>
    tpu.wait_indirect_dma semaphore(%arg17 : memref<!tpu.dma_semaphore, #tpu.memory_space<semaphore_mem>>) src(%arg13 : memref<80x128xf32, #tpu.memory_space<vmem>>) dst(%dma_wait3A_41 : memref<10112x128xf32, #tpu.memory_space<vmem_shared>>)
    %barrier3A_42 = arith.constant 0 : index
    tpu.barrier barrier_id(%barrier3A_42)
    %mul3A_43 = arith.constant 10112 : i32
    %mul3A_44 = arith.muli %add3A_11, %mul3A_43 : i32
    %add3A_45 = arith.addi %mul3A_44, %mul3A_0 : i32
    "tpu.region"() ({
      %run_scoped3A = tpu.sem_alloc : memref<!tpu.dma_semaphore, #tpu.memory_space<semaphore_mem>>
      %dma_start3A_47 = arith.constant 0 : i32
      %dma_start3A_48 = tpu.memref_slice %arg7[%add3A_45, %dma_start3A_47] : memref<20224x128xf32, #tpu.memory_space<hbm>> -> memref<632x128xf32, #tpu.memory_space<hbm>>
      %dma_start3A_49 = arith.constant 0 : i32
      %dma_start3A_50 = tpu.memref_slice %arg9[%mul3A_0, %dma_start3A_49] : memref<10112x128xf32, #tpu.memory_space<vmem_shared>> -> memref<632x128xf32, #tpu.memory_space<vmem_shared>>
      tpu.enqueue_dma source(%dma_start3A_50 : memref<632x128xf32, #tpu.memory_space<vmem_shared>>) target(%dma_start3A_48 : memref<632x128xf32, #tpu.memory_space<hbm>>) target_semaphore(%run_scoped3A : memref<!tpu.dma_semaphore, #tpu.memory_space<semaphore_mem>>)
      %dma_wait3A_51 = arith.constant 0 : i32
      %dma_wait3A_52 = tpu.memref_slice %arg7[%add3A_45, %dma_wait3A_51] : memref<20224x128xf32, #tpu.memory_space<hbm>> -> memref<632x128xf32, #tpu.memory_space<hbm>>
      %dma_wait3A_53 = arith.constant 0 : i32
      %dma_wait3A_54 = tpu.memref_slice %arg9[%mul3A_0, %dma_wait3A_53] : memref<10112x128xf32, #tpu.memory_space<vmem_shared>> -> memref<632x128xf32, #tpu.memory_space<vmem_shared>>
      tpu.wait_dma2 semaphore(%run_scoped3A : memref<!tpu.dma_semaphore, #tpu.memory_space<semaphore_mem>>) src(%dma_wait3A_54 : memref<632x128xf32, #tpu.memory_space<vmem_shared>>) dst(%dma_wait3A_52 : memref<632x128xf32, #tpu.memory_space<hbm>>)
      tpu.yield
    }) : () -> ()
    %barrier3A_46 = arith.constant 0 : index
    tpu.barrier barrier_id(%barrier3A_46)
    return
  }
}

#map = affine_map<(d0, d1) -> (0, 0)>
#map1 = affine_map<(d0, d1) -> (0, 0, 0)>
module attributes {stable_mosaic.version = 14 : i64} {
  func.func @body(%arg0: i32, %arg1: i32, %arg2: memref<40000x128xf32, #tpu.memory_space<hbm>>, %arg3: memref<16x10000xi32, #tpu.memory_space<hbm>>, %arg4: memref<16x125x80xi32, #tpu.memory_space<hbm>>, %arg5: memref<632x128xf32, #tpu.memory_space<hbm>>, %arg6: memref<40448x128xf32, #tpu.memory_space<hbm>>, %arg7: memref<10112x128xf32, #tpu.memory_space<vmem_shared>>, %arg8: memref<10000xi32, #tpu.memory_space<vmem>>, %arg9: memref<125x80xi32, #tpu.memory_space<vmem>>, %arg10: memref<80x128xf32, #tpu.memory_space<vmem>>, %arg11: memref<80x128xf32, #tpu.memory_space<vmem>>, %arg12: memref<!tpu.dma_semaphore, #tpu.memory_space<semaphore_mem>>, %arg13: memref<!tpu.dma_semaphore, #tpu.memory_space<semaphore_mem>>, %arg14: memref<!tpu.dma_semaphore, #tpu.memory_space<semaphore_mem>>, %arg15: memref<!tpu.dma_semaphore, #tpu.memory_space<semaphore_mem>>) attributes {dimension_semantics = [#tpu.dimension_semantics<core_parallel>, #tpu.dimension_semantics<subcore_parallel>], iteration_bounds = array<i64: 2, 16>, scalar_prefetch = 0 : i64, scratch_operands = 9 : i64, tpu.core_type = #tpu.core_type<sc_vector_subcore>, window_params = [{transform_indices = #map}, {transform_indices = #map}, {transform_indices = #map1}, {transform_indices = #map}, {transform_indices = #map}]} {
    %mul3A = arith.constant 632 : i32
    %mul3A_0 = arith.muli %arg1, %mul3A : i32
    "tpu.region"() ({
      %run_scoped3A = tpu.sem_alloc : memref<!tpu.dma_semaphore, #tpu.memory_space<semaphore_mem>>
      %dma_start3A_74 = arith.constant 0 : i32
      %dma_start3A_75 = tpu.memref_slice %arg3[%arg1, %dma_start3A_74] : memref<16x10000xi32, #tpu.memory_space<hbm>> -> memref<1x10000xi32, #tpu.memory_space<hbm>>
      %dma_start3A_76 = tpu.memref_squeeze %dma_start3A_75 : memref<1x10000xi32, #tpu.memory_space<hbm>> -> memref<10000xi32, #tpu.memory_space<hbm>>
      %dma_start3A_77 = arith.constant 0 : i32
      %dma_start3A_78 = tpu.memref_slice %arg3[%arg1, %dma_start3A_77] : memref<16x10000xi32, #tpu.memory_space<hbm>> -> memref<1x10000xi32, #tpu.memory_space<hbm>>
      %dma_start3A_79 = tpu.memref_squeeze %dma_start3A_78 : memref<1x10000xi32, #tpu.memory_space<hbm>> -> memref<10000xi32, #tpu.memory_space<hbm>>
      tpu.enqueue_dma source(%dma_start3A_79 : memref<10000xi32, #tpu.memory_space<hbm>>) target(%arg8 : memref<10000xi32, #tpu.memory_space<vmem>>) target_semaphore(%run_scoped3A : memref<!tpu.dma_semaphore, #tpu.memory_space<semaphore_mem>>)
      %dma_wait3A_80 = arith.constant 0 : i32
      %dma_wait3A_81 = tpu.memref_slice %arg3[%arg1, %dma_wait3A_80] : memref<16x10000xi32, #tpu.memory_space<hbm>> -> memref<1x10000xi32, #tpu.memory_space<hbm>>
      %dma_wait3A_82 = tpu.memref_squeeze %dma_wait3A_81 : memref<1x10000xi32, #tpu.memory_space<hbm>> -> memref<10000xi32, #tpu.memory_space<hbm>>
      %dma_wait3A_83 = arith.constant 0 : i32
      %dma_wait3A_84 = tpu.memref_slice %arg3[%arg1, %dma_wait3A_83] : memref<16x10000xi32, #tpu.memory_space<hbm>> -> memref<1x10000xi32, #tpu.memory_space<hbm>>
      %dma_wait3A_85 = tpu.memref_squeeze %dma_wait3A_84 : memref<1x10000xi32, #tpu.memory_space<hbm>> -> memref<10000xi32, #tpu.memory_space<hbm>>
      tpu.wait_dma2 semaphore(%run_scoped3A : memref<!tpu.dma_semaphore, #tpu.memory_space<semaphore_mem>>) src(%dma_wait3A_85 : memref<10000xi32, #tpu.memory_space<hbm>>) dst(%arg8 : memref<10000xi32, #tpu.memory_space<vmem>>)
      tpu.yield
    }) : () -> ()
    "tpu.region"() ({
      %run_scoped3A = tpu.sem_alloc : memref<!tpu.dma_semaphore, #tpu.memory_space<semaphore_mem>>
      %dma_start3A_74 = arith.constant 0 : i32
      %dma_start3A_75 = arith.constant 0 : i32
      %dma_start3A_76 = tpu.memref_slice %arg4[%arg1, %dma_start3A_74, %dma_start3A_75] : memref<16x125x80xi32, #tpu.memory_space<hbm>> -> memref<1x125x80xi32, #tpu.memory_space<hbm>>
      %dma_start3A_77 = tpu.memref_squeeze %dma_start3A_76 : memref<1x125x80xi32, #tpu.memory_space<hbm>> -> memref<125x80xi32, #tpu.memory_space<hbm>>
      %dma_start3A_78 = arith.constant 0 : i32
      %dma_start3A_79 = arith.constant 0 : i32
      %dma_start3A_80 = tpu.memref_slice %arg4[%arg1, %dma_start3A_78, %dma_start3A_79] : memref<16x125x80xi32, #tpu.memory_space<hbm>> -> memref<1x125x80xi32, #tpu.memory_space<hbm>>
      %dma_start3A_81 = tpu.memref_squeeze %dma_start3A_80 : memref<1x125x80xi32, #tpu.memory_space<hbm>> -> memref<125x80xi32, #tpu.memory_space<hbm>>
      tpu.enqueue_dma source(%dma_start3A_81 : memref<125x80xi32, #tpu.memory_space<hbm>>) target(%arg9 : memref<125x80xi32, #tpu.memory_space<vmem>>) target_semaphore(%run_scoped3A : memref<!tpu.dma_semaphore, #tpu.memory_space<semaphore_mem>>)
      %dma_wait3A_82 = arith.constant 0 : i32
      %dma_wait3A_83 = arith.constant 0 : i32
      %dma_wait3A_84 = tpu.memref_slice %arg4[%arg1, %dma_wait3A_82, %dma_wait3A_83] : memref<16x125x80xi32, #tpu.memory_space<hbm>> -> memref<1x125x80xi32, #tpu.memory_space<hbm>>
      %dma_wait3A_85 = tpu.memref_squeeze %dma_wait3A_84 : memref<1x125x80xi32, #tpu.memory_space<hbm>> -> memref<125x80xi32, #tpu.memory_space<hbm>>
      %dma_wait3A_86 = arith.constant 0 : i32
      %dma_wait3A_87 = arith.constant 0 : i32
      %dma_wait3A_88 = tpu.memref_slice %arg4[%arg1, %dma_wait3A_86, %dma_wait3A_87] : memref<16x125x80xi32, #tpu.memory_space<hbm>> -> memref<1x125x80xi32, #tpu.memory_space<hbm>>
      %dma_wait3A_89 = tpu.memref_squeeze %dma_wait3A_88 : memref<1x125x80xi32, #tpu.memory_space<hbm>> -> memref<125x80xi32, #tpu.memory_space<hbm>>
      tpu.wait_dma2 semaphore(%run_scoped3A : memref<!tpu.dma_semaphore, #tpu.memory_space<semaphore_mem>>) src(%dma_wait3A_89 : memref<125x80xi32, #tpu.memory_space<hbm>>) dst(%arg9 : memref<125x80xi32, #tpu.memory_space<vmem>>)
      tpu.yield
    }) : () -> ()
    %add3A = arith.constant 0 : i32
    %add3A_1 = arith.addi %arg0, %add3A : i32
    %scan3A = arith.constant 0 : i32
    %scan3A_2 = arith.constant 0 : i32
    %scan3A_3 = arith.constant 625 : i32
    %scan3A_4 = arith.addi %scan3A_2, %scan3A_3 : i32
    %scan3A_5 = arith.constant 1 : i32
    scf.for %scan3A_74 = %scan3A_2 to %scan3A_4 step %scan3A_5  : i32 {
      %mul3A_75 = arith.constant 16 : i32
      %mul3A_76 = arith.muli %scan3A_74, %mul3A_75 : i32
      %get3A = arith.index_cast %mul3A_76 : i32 to index
      %get3A_77 = tpu.vector_load %arg8[%get3A] {strides = array<i32>} : memref<10000xi32, #tpu.memory_space<vmem>>, vector<16xi32>,
      %get3A_78 = vector.shape_cast %get3A_77 : vector<16xi32> to vector<16xi32>
      %mul3A_79 = arith.constant 4 : i32
      %mul3A_80 = vector.broadcast %mul3A_79 : i32 to vector<16xi32>
      %mul3A_81 = arith.muli %get3A_78, %mul3A_80 : vector<16xi32>
      %add3A_82 = vector.broadcast %add3A_1 : i32 to vector<16xi32>
      %add3A_83 = arith.addi %mul3A_81, %add3A_82 : vector<16xi32>
      %swap3A = arith.index_cast %mul3A_76 : i32 to index
      %swap3A_84 = tpu.vector_load %arg8[%swap3A] {strides = array<i32>} : memref<10000xi32, #tpu.memory_space<vmem>>, vector<16xi32>,
      %swap3A_85 = vector.shape_cast %swap3A_84 : vector<16xi32> to vector<16xi32>
      %swap3A_86 = vector.shape_cast %add3A_83 : vector<16xi32> to vector<16xi32>
      tpu.vector_store %arg8[%swap3A], %swap3A_86 {strides = array<i32>} : memref<10000xi32, #tpu.memory_space<vmem>>, vector<16xi32>,
    }
    %scan3A_6 = arith.constant 625 : i32
    "tpu.region"() ({
      %run_scoped3A = tpu.sem_alloc : memref<!tpu.dma_semaphore, #tpu.memory_space<semaphore_mem>>
      %dma_start3A_74 = arith.constant 0 : i32
      %dma_start3A_75 = tpu.memref_slice %arg7[%mul3A_0, %dma_start3A_74] : memref<10112x128xf32, #tpu.memory_space<vmem_shared>> -> memref<632x128xf32, #tpu.memory_space<vmem_shared>>
      tpu.enqueue_dma source(%arg5 : memref<632x128xf32, #tpu.memory_space<hbm>>) target(%dma_start3A_75 : memref<632x128xf32, #tpu.memory_space<vmem_shared>>) target_semaphore(%run_scoped3A : memref<!tpu.dma_semaphore, #tpu.memory_space<semaphore_mem>>)
      %dma_wait3A_76 = arith.constant 0 : i32
      %dma_wait3A_77 = tpu.memref_slice %arg7[%mul3A_0, %dma_wait3A_76] : memref<10112x128xf32, #tpu.memory_space<vmem_shared>> -> memref<632x128xf32, #tpu.memory_space<vmem_shared>>
      tpu.wait_dma2 semaphore(%run_scoped3A : memref<!tpu.dma_semaphore, #tpu.memory_space<semaphore_mem>>) src(%arg5 : memref<632x128xf32, #tpu.memory_space<hbm>>) dst(%dma_wait3A_77 : memref<632x128xf32, #tpu.memory_space<vmem_shared>>)
      tpu.yield
    }) : () -> ()
    %barrier3A = arith.constant 0 : index
    tpu.barrier barrier_id(%barrier3A)
    %dma_start3A = arith.constant 0 : i32
    %dma_start3A_7 = tpu.memref_slice %arg8[%dma_start3A] : memref<10000xi32, #tpu.memory_space<vmem>> -> memref<80xi32, #tpu.memory_space<vmem>>
    %dma_start3A_8 = arith.constant 0 : i32
    %dma_start3A_9 = arith.constant 0 : i32
    %dma_start3A_10 = tpu.memref_slice %arg2[%dma_start3A_8, %dma_start3A_9] : memref<40000x128xf32, #tpu.memory_space<hbm>> -> memref<40000x128xf32, #tpu.memory_space<hbm>>
    tpu.enqueue_indirect_dma source(%dma_start3A_10 : memref<40000x128xf32, #tpu.memory_space<hbm>>) target(%arg10 : memref<80x128xf32, #tpu.memory_space<vmem>>) offsets(%dma_start3A_7 : memref<80xi32, #tpu.memory_space<vmem>>) semaphore(%arg12 : memref<!tpu.dma_semaphore, #tpu.memory_space<semaphore_mem>>)
    %scan3A_11 = arith.constant 0 : i32
    %scan3A_12 = arith.constant 0 : i32
    %scan3A_13 = arith.constant 125 : i32
    %scan3A_14 = arith.addi %scan3A_12, %scan3A_13 : i32
    %scan3A_15 = arith.constant 1 : i32
    scf.for %scan3A_74 = %scan3A_12 to %scan3A_14 step %scan3A_15  : i32 {
      %rem3A = arith.constant 2 : i32
      %rem3A_75 = arith.remsi %scan3A_74, %rem3A : i32
      %eq3A = arith.constant 0 : i32
      %eq3A_76 = arith.cmpi eq, %rem3A_75, %eq3A : i32
      %convert_element_type3A = arith.extui %eq3A_76 : i1 to i32
      %cond3A = arith.constant 0 : i32
      %cond3A_77 = arith.cmpi ne, %convert_element_type3A, %cond3A : i32
      scf.if %cond3A_77 {
        %mul3A_85 = arith.constant 80 : i32
        %mul3A_86 = arith.muli %scan3A_74, %mul3A_85 : i32
        %dma_wait3A_87 = tpu.memref_slice %arg8[%mul3A_86] : memref<10000xi32, #tpu.memory_space<vmem>> -> memref<80xi32, #tpu.memory_space<vmem>>
        %dma_wait3A_88 = arith.constant 0 : i32
        %dma_wait3A_89 = arith.constant 0 : i32
        %dma_wait3A_90 = tpu.memref_slice %arg2[%dma_wait3A_88, %dma_wait3A_89] : memref<40000x128xf32, #tpu.memory_space<hbm>> -> memref<40000x128xf32, #tpu.memory_space<hbm>>
        tpu.wait_indirect_dma semaphore(%arg12 : memref<!tpu.dma_semaphore, #tpu.memory_space<semaphore_mem>>) src(%dma_wait3A_90 : memref<40000x128xf32, #tpu.memory_space<hbm>>) dst(%arg10 : memref<80x128xf32, #tpu.memory_space<vmem>>)
        %dma_start3A_91 = arith.constant 0 : i32
        %dma_start3A_92 = tpu.memref_slice %arg9[%scan3A_74, %dma_start3A_91] : memref<125x80xi32, #tpu.memory_space<vmem>> -> memref<1x80xi32, #tpu.memory_space<vmem>>
        %dma_start3A_93 = tpu.memref_squeeze %dma_start3A_92 : memref<1x80xi32, #tpu.memory_space<vmem>> -> memref<80xi32, #tpu.memory_space<vmem>>
        %dma_start3A_94 = arith.constant 0 : i32
        %dma_start3A_95 = arith.constant 0 : i32
        %dma_start3A_96 = tpu.memref_slice %arg7[%dma_start3A_94, %dma_start3A_95] : memref<10112x128xf32, #tpu.memory_space<vmem_shared>> -> memref<10112x128xf32, #tpu.memory_space<vmem_shared>>
        tpu.enqueue_indirect_dma source(%arg10 : memref<80x128xf32, #tpu.memory_space<vmem>>) target(%dma_start3A_96 : memref<10112x128xf32, #tpu.memory_space<vmem_shared>>) offsets(%dma_start3A_93 : memref<80xi32, #tpu.memory_space<vmem>>) semaphore(%arg14 : memref<!tpu.dma_semaphore, #tpu.memory_space<semaphore_mem>>) {add = true}
        %add3A_97 = arith.constant 1 : i32
        %add3A_98 = arith.addi %scan3A_74, %add3A_97 : i32
        %lt3A = arith.constant 125 : i32
        %lt3A_99 = arith.cmpi slt, %add3A_98, %lt3A : i32
        %convert_element_type3A_100 = arith.extui %lt3A_99 : i1 to i32
        %cond3A_101 = arith.constant 0 : i32
        %cond3A_102 = arith.cmpi ne, %convert_element_type3A_100, %cond3A_101 : i32
        scf.if %cond3A_102 {
          %ge3A = arith.constant 1 : i32
          %ge3A_103 = arith.cmpi sge, %scan3A_74, %ge3A : i32
          %convert_element_type3A_104 = arith.extui %ge3A_103 : i1 to i32
          %cond3A_105 = arith.constant 0 : i32
          %cond3A_106 = arith.cmpi ne, %convert_element_type3A_104, %cond3A_105 : i32
          scf.if %cond3A_106 {
            %dma_wait3A_115 = arith.constant 0 : i32
            %dma_wait3A_116 = arith.constant 0 : i32
            %dma_wait3A_117 = tpu.memref_slice %arg9[%dma_wait3A_115, %dma_wait3A_116] : memref<125x80xi32, #tpu.memory_space<vmem>> -> memref<1x80xi32, #tpu.memory_space<vmem>>
            %dma_wait3A_118 = tpu.memref_squeeze %dma_wait3A_117 : memref<1x80xi32, #tpu.memory_space<vmem>> -> memref<80xi32, #tpu.memory_space<vmem>>
            %dma_wait3A_119 = arith.constant 0 : i32
            %dma_wait3A_120 = arith.constant 0 : i32
            %dma_wait3A_121 = tpu.memref_slice %arg7[%dma_wait3A_119, %dma_wait3A_120] : memref<10112x128xf32, #tpu.memory_space<vmem_shared>> -> memref<10112x128xf32, #tpu.memory_space<vmem_shared>>
            tpu.wait_indirect_dma semaphore(%arg15 : memref<!tpu.dma_semaphore, #tpu.memory_space<semaphore_mem>>) src(%arg11 : memref<80x128xf32, #tpu.memory_space<vmem>>) dst(%dma_wait3A_121 : memref<10112x128xf32, #tpu.memory_space<vmem_shared>>)
          } else {
          }
          %add3A_107 = arith.constant 1 : i32
          %add3A_108 = arith.addi %scan3A_74, %add3A_107 : i32
          %mul3A_109 = arith.constant 80 : i32
          %mul3A_110 = arith.muli %add3A_108, %mul3A_109 : i32
          %dma_start3A_111 = tpu.memref_slice %arg8[%mul3A_110] : memref<10000xi32, #tpu.memory_space<vmem>> -> memref<80xi32, #tpu.memory_space<vmem>>
          %dma_start3A_112 = arith.constant 0 : i32
          %dma_start3A_113 = arith.constant 0 : i32
          %dma_start3A_114 = tpu.memref_slice %arg2[%dma_start3A_112, %dma_start3A_113] : memref<40000x128xf32, #tpu.memory_space<hbm>> -> memref<40000x128xf32, #tpu.memory_space<hbm>>
          tpu.enqueue_indirect_dma source(%dma_start3A_114 : memref<40000x128xf32, #tpu.memory_space<hbm>>) target(%arg11 : memref<80x128xf32, #tpu.memory_space<vmem>>) offsets(%dma_start3A_111 : memref<80xi32, #tpu.memory_space<vmem>>) semaphore(%arg13 : memref<!tpu.dma_semaphore, #tpu.memory_space<semaphore_mem>>)
        } else {
        }
      } else {
      }
      %rem3A_78 = arith.constant 2 : i32
      %rem3A_79 = arith.remsi %scan3A_74, %rem3A_78 : i32
      %eq3A_80 = arith.constant 1 : i32
      %eq3A_81 = arith.cmpi eq, %rem3A_79, %eq3A_80 : i32
      %convert_element_type3A_82 = arith.extui %eq3A_81 : i1 to i32
      %cond3A_83 = arith.constant 0 : i32
      %cond3A_84 = arith.cmpi ne, %convert_element_type3A_82, %cond3A_83 : i32
      scf.if %cond3A_84 {
        %mul3A_85 = arith.constant 80 : i32
        %mul3A_86 = arith.muli %scan3A_74, %mul3A_85 : i32
        %dma_wait3A_87 = tpu.memref_slice %arg8[%mul3A_86] : memref<10000xi32, #tpu.memory_space<vmem>> -> memref<80xi32, #tpu.memory_space<vmem>>
        %dma_wait3A_88 = arith.constant 0 : i32
        %dma_wait3A_89 = arith.constant 0 : i32
        %dma_wait3A_90 = tpu.memref_slice %arg2[%dma_wait3A_88, %dma_wait3A_89] : memref<40000x128xf32, #tpu.memory_space<hbm>> -> memref<40000x128xf32, #tpu.memory_space<hbm>>
        tpu.wait_indirect_dma semaphore(%arg13 : memref<!tpu.dma_semaphore, #tpu.memory_space<semaphore_mem>>) src(%dma_wait3A_90 : memref<40000x128xf32, #tpu.memory_space<hbm>>) dst(%arg11 : memref<80x128xf32, #tpu.memory_space<vmem>>)
        %dma_start3A_91 = arith.constant 0 : i32
        %dma_start3A_92 = tpu.memref_slice %arg9[%scan3A_74, %dma_start3A_91] : memref<125x80xi32, #tpu.memory_space<vmem>> -> memref<1x80xi32, #tpu.memory_space<vmem>>
        %dma_start3A_93 = tpu.memref_squeeze %dma_start3A_92 : memref<1x80xi32, #tpu.memory_space<vmem>> -> memref<80xi32, #tpu.memory_space<vmem>>
        %dma_start3A_94 = arith.constant 0 : i32
        %dma_start3A_95 = arith.constant 0 : i32
        %dma_start3A_96 = tpu.memref_slice %arg7[%dma_start3A_94, %dma_start3A_95] : memref<10112x128xf32, #tpu.memory_space<vmem_shared>> -> memref<10112x128xf32, #tpu.memory_space<vmem_shared>>
        tpu.enqueue_indirect_dma source(%arg11 : memref<80x128xf32, #tpu.memory_space<vmem>>) target(%dma_start3A_96 : memref<10112x128xf32, #tpu.memory_space<vmem_shared>>) offsets(%dma_start3A_93 : memref<80xi32, #tpu.memory_space<vmem>>) semaphore(%arg15 : memref<!tpu.dma_semaphore, #tpu.memory_space<semaphore_mem>>) {add = true}
        %add3A_97 = arith.constant 1 : i32
        %add3A_98 = arith.addi %scan3A_74, %add3A_97 : i32
        %lt3A = arith.constant 125 : i32
        %lt3A_99 = arith.cmpi slt, %add3A_98, %lt3A : i32
        %convert_element_type3A_100 = arith.extui %lt3A_99 : i1 to i32
        %cond3A_101 = arith.constant 0 : i32
        %cond3A_102 = arith.cmpi ne, %convert_element_type3A_100, %cond3A_101 : i32
        scf.if %cond3A_102 {
          %ge3A = arith.constant 1 : i32
          %ge3A_103 = arith.cmpi sge, %scan3A_74, %ge3A : i32
          %convert_element_type3A_104 = arith.extui %ge3A_103 : i1 to i32
          %cond3A_105 = arith.constant 0 : i32
          %cond3A_106 = arith.cmpi ne, %convert_element_type3A_104, %cond3A_105 : i32
          scf.if %cond3A_106 {
            %dma_wait3A_115 = arith.constant 0 : i32
            %dma_wait3A_116 = arith.constant 0 : i32
            %dma_wait3A_117 = tpu.memref_slice %arg9[%dma_wait3A_115, %dma_wait3A_116] : memref<125x80xi32, #tpu.memory_space<vmem>> -> memref<1x80xi32, #tpu.memory_space<vmem>>
            %dma_wait3A_118 = tpu.memref_squeeze %dma_wait3A_117 : memref<1x80xi32, #tpu.memory_space<vmem>> -> memref<80xi32, #tpu.memory_space<vmem>>
            %dma_wait3A_119 = arith.constant 0 : i32
            %dma_wait3A_120 = arith.constant 0 : i32
            %dma_wait3A_121 = tpu.memref_slice %arg7[%dma_wait3A_119, %dma_wait3A_120] : memref<10112x128xf32, #tpu.memory_space<vmem_shared>> -> memref<10112x128xf32, #tpu.memory_space<vmem_shared>>
            tpu.wait_indirect_dma semaphore(%arg14 : memref<!tpu.dma_semaphore, #tpu.memory_space<semaphore_mem>>) src(%arg10 : memref<80x128xf32, #tpu.memory_space<vmem>>) dst(%dma_wait3A_121 : memref<10112x128xf32, #tpu.memory_space<vmem_shared>>)
          } else {
          }
          %add3A_107 = arith.constant 1 : i32
          %add3A_108 = arith.addi %scan3A_74, %add3A_107 : i32
          %mul3A_109 = arith.constant 80 : i32
          %mul3A_110 = arith.muli %add3A_108, %mul3A_109 : i32
          %dma_start3A_111 = tpu.memref_slice %arg8[%mul3A_110] : memref<10000xi32, #tpu.memory_space<vmem>> -> memref<80xi32, #tpu.memory_space<vmem>>
          %dma_start3A_112 = arith.constant 0 : i32
          %dma_start3A_113 = arith.constant 0 : i32
          %dma_start3A_114 = tpu.memref_slice %arg2[%dma_start3A_112, %dma_start3A_113] : memref<40000x128xf32, #tpu.memory_space<hbm>> -> memref<40000x128xf32, #tpu.memory_space<hbm>>
          tpu.enqueue_indirect_dma source(%dma_start3A_114 : memref<40000x128xf32, #tpu.memory_space<hbm>>) target(%arg10 : memref<80x128xf32, #tpu.memory_space<vmem>>) offsets(%dma_start3A_111 : memref<80xi32, #tpu.memory_space<vmem>>) semaphore(%arg12 : memref<!tpu.dma_semaphore, #tpu.memory_space<semaphore_mem>>)
        } else {
        }
      } else {
      }
    }
    %scan3A_16 = arith.constant 125 : i32
    %dma_wait3A = arith.constant 0 : i32
    %dma_wait3A_17 = arith.constant 0 : i32
    %dma_wait3A_18 = tpu.memref_slice %arg9[%dma_wait3A, %dma_wait3A_17] : memref<125x80xi32, #tpu.memory_space<vmem>> -> memref<1x80xi32, #tpu.memory_space<vmem>>
    %dma_wait3A_19 = tpu.memref_squeeze %dma_wait3A_18 : memref<1x80xi32, #tpu.memory_space<vmem>> -> memref<80xi32, #tpu.memory_space<vmem>>
    %dma_wait3A_20 = arith.constant 0 : i32
    %dma_wait3A_21 = arith.constant 0 : i32
    %dma_wait3A_22 = tpu.memref_slice %arg7[%dma_wait3A_20, %dma_wait3A_21] : memref<10112x128xf32, #tpu.memory_space<vmem_shared>> -> memref<10112x128xf32, #tpu.memory_space<vmem_shared>>
    tpu.wait_indirect_dma semaphore(%arg14 : memref<!tpu.dma_semaphore, #tpu.memory_space<semaphore_mem>>) src(%arg10 : memref<80x128xf32, #tpu.memory_space<vmem>>) dst(%dma_wait3A_22 : memref<10112x128xf32, #tpu.memory_space<vmem_shared>>)
    %dma_wait3A_23 = arith.constant 0 : i32
    %dma_wait3A_24 = arith.constant 0 : i32
    %dma_wait3A_25 = tpu.memref_slice %arg9[%dma_wait3A_23, %dma_wait3A_24] : memref<125x80xi32, #tpu.memory_space<vmem>> -> memref<1x80xi32, #tpu.memory_space<vmem>>
    %dma_wait3A_26 = tpu.memref_squeeze %dma_wait3A_25 : memref<1x80xi32, #tpu.memory_space<vmem>> -> memref<80xi32, #tpu.memory_space<vmem>>
    %dma_wait3A_27 = arith.constant 0 : i32
    %dma_wait3A_28 = arith.constant 0 : i32
    %dma_wait3A_29 = tpu.memref_slice %arg7[%dma_wait3A_27, %dma_wait3A_28] : memref<10112x128xf32, #tpu.memory_space<vmem_shared>> -> memref<10112x128xf32, #tpu.memory_space<vmem_shared>>
    tpu.wait_indirect_dma semaphore(%arg15 : memref<!tpu.dma_semaphore, #tpu.memory_space<semaphore_mem>>) src(%arg11 : memref<80x128xf32, #tpu.memory_space<vmem>>) dst(%dma_wait3A_29 : memref<10112x128xf32, #tpu.memory_space<vmem_shared>>)
    %barrier3A_30 = arith.constant 0 : index
    tpu.barrier barrier_id(%barrier3A_30)
    %mul3A_31 = arith.constant 10112 : i32
    %mul3A_32 = arith.muli %add3A_1, %mul3A_31 : i32
    %add3A_33 = arith.addi %mul3A_32, %mul3A_0 : i32
    "tpu.region"() ({
      %run_scoped3A = tpu.sem_alloc : memref<!tpu.dma_semaphore, #tpu.memory_space<semaphore_mem>>
      %dma_start3A_74 = arith.constant 0 : i32
      %dma_start3A_75 = tpu.memref_slice %arg6[%add3A_33, %dma_start3A_74] : memref<40448x128xf32, #tpu.memory_space<hbm>> -> memref<632x128xf32, #tpu.memory_space<hbm>>
      %dma_start3A_76 = arith.constant 0 : i32
      %dma_start3A_77 = tpu.memref_slice %arg7[%mul3A_0, %dma_start3A_76] : memref<10112x128xf32, #tpu.memory_space<vmem_shared>> -> memref<632x128xf32, #tpu.memory_space<vmem_shared>>
      tpu.enqueue_dma source(%dma_start3A_77 : memref<632x128xf32, #tpu.memory_space<vmem_shared>>) target(%dma_start3A_75 : memref<632x128xf32, #tpu.memory_space<hbm>>) target_semaphore(%run_scoped3A : memref<!tpu.dma_semaphore, #tpu.memory_space<semaphore_mem>>)
      %dma_wait3A_78 = arith.constant 0 : i32
      %dma_wait3A_79 = tpu.memref_slice %arg6[%add3A_33, %dma_wait3A_78] : memref<40448x128xf32, #tpu.memory_space<hbm>> -> memref<632x128xf32, #tpu.memory_space<hbm>>
      %dma_wait3A_80 = arith.constant 0 : i32
      %dma_wait3A_81 = tpu.memref_slice %arg7[%mul3A_0, %dma_wait3A_80] : memref<10112x128xf32, #tpu.memory_space<vmem_shared>> -> memref<632x128xf32, #tpu.memory_space<vmem_shared>>
      tpu.wait_dma2 semaphore(%run_scoped3A : memref<!tpu.dma_semaphore, #tpu.memory_space<semaphore_mem>>) src(%dma_wait3A_81 : memref<632x128xf32, #tpu.memory_space<vmem_shared>>) dst(%dma_wait3A_79 : memref<632x128xf32, #tpu.memory_space<hbm>>)
      tpu.yield
    }) : () -> ()
    %barrier3A_34 = arith.constant 0 : index
    tpu.barrier barrier_id(%barrier3A_34)
    %add3A_35 = arith.constant 2 : i32
    %add3A_36 = arith.addi %arg0, %add3A_35 : i32
    %scan3A_37 = arith.constant 0 : i32
    %scan3A_38 = arith.constant 0 : i32
    %scan3A_39 = arith.constant 625 : i32
    %scan3A_40 = arith.addi %scan3A_38, %scan3A_39 : i32
    %scan3A_41 = arith.constant 1 : i32
    scf.for %scan3A_74 = %scan3A_38 to %scan3A_40 step %scan3A_41  : i32 {
      %mul3A_75 = arith.constant 16 : i32
      %mul3A_76 = arith.muli %scan3A_74, %mul3A_75 : i32
      %get3A = arith.index_cast %mul3A_76 : i32 to index
      %get3A_77 = tpu.vector_load %arg8[%get3A] {strides = array<i32>} : memref<10000xi32, #tpu.memory_space<vmem>>, vector<16xi32>,
      %get3A_78 = vector.shape_cast %get3A_77 : vector<16xi32> to vector<16xi32>
      %add3A_79 = arith.constant 2 : i32
      %add3A_80 = vector.broadcast %add3A_79 : i32 to vector<16xi32>
      %add3A_81 = arith.addi %get3A_78, %add3A_80 : vector<16xi32>
      %swap3A = arith.index_cast %mul3A_76 : i32 to index
      %swap3A_82 = tpu.vector_load %arg8[%swap3A] {strides = array<i32>} : memref<10000xi32, #tpu.memory_space<vmem>>, vector<16xi32>,
      %swap3A_83 = vector.shape_cast %swap3A_82 : vector<16xi32> to vector<16xi32>
      %swap3A_84 = vector.shape_cast %add3A_81 : vector<16xi32> to vector<16xi32>
      tpu.vector_store %arg8[%swap3A], %swap3A_84 {strides = array<i32>} : memref<10000xi32, #tpu.memory_space<vmem>>, vector<16xi32>,
    }
    %scan3A_42 = arith.constant 625 : i32
    "tpu.region"() ({
      %run_scoped3A = tpu.sem_alloc : memref<!tpu.dma_semaphore, #tpu.memory_space<semaphore_mem>>
      %dma_start3A_74 = arith.constant 0 : i32
      %dma_start3A_75 = tpu.memref_slice %arg7[%mul3A_0, %dma_start3A_74] : memref<10112x128xf32, #tpu.memory_space<vmem_shared>> -> memref<632x128xf32, #tpu.memory_space<vmem_shared>>
      tpu.enqueue_dma source(%arg5 : memref<632x128xf32, #tpu.memory_space<hbm>>) target(%dma_start3A_75 : memref<632x128xf32, #tpu.memory_space<vmem_shared>>) target_semaphore(%run_scoped3A : memref<!tpu.dma_semaphore, #tpu.memory_space<semaphore_mem>>)
      %dma_wait3A_76 = arith.constant 0 : i32
      %dma_wait3A_77 = tpu.memref_slice %arg7[%mul3A_0, %dma_wait3A_76] : memref<10112x128xf32, #tpu.memory_space<vmem_shared>> -> memref<632x128xf32, #tpu.memory_space<vmem_shared>>
      tpu.wait_dma2 semaphore(%run_scoped3A : memref<!tpu.dma_semaphore, #tpu.memory_space<semaphore_mem>>) src(%arg5 : memref<632x128xf32, #tpu.memory_space<hbm>>) dst(%dma_wait3A_77 : memref<632x128xf32, #tpu.memory_space<vmem_shared>>)
      tpu.yield
    }) : () -> ()
    %barrier3A_43 = arith.constant 0 : index
    tpu.barrier barrier_id(%barrier3A_43)
    %dma_start3A_44 = arith.constant 0 : i32
    %dma_start3A_45 = tpu.memref_slice %arg8[%dma_start3A_44] : memref<10000xi32, #tpu.memory_space<vmem>> -> memref<80xi32, #tpu.memory_space<vmem>>
    %dma_start3A_46 = arith.constant 0 : i32
    %dma_start3A_47 = arith.constant 0 : i32
    %dma_start3A_48 = tpu.memref_slice %arg2[%dma_start3A_46, %dma_start3A_47] : memref<40000x128xf32, #tpu.memory_space<hbm>> -> memref<40000x128xf32, #tpu.memory_space<hbm>>
    tpu.enqueue_indirect_dma source(%dma_start3A_48 : memref<40000x128xf32, #tpu.memory_space<hbm>>) target(%arg10 : memref<80x128xf32, #tpu.memory_space<vmem>>) offsets(%dma_start3A_45 : memref<80xi32, #tpu.memory_space<vmem>>) semaphore(%arg12 : memref<!tpu.dma_semaphore, #tpu.memory_space<semaphore_mem>>)
    %scan3A_49 = arith.constant 0 : i32
    %scan3A_50 = arith.constant 0 : i32
    %scan3A_51 = arith.constant 125 : i32
    %scan3A_52 = arith.addi %scan3A_50, %scan3A_51 : i32
    %scan3A_53 = arith.constant 1 : i32
    scf.for %scan3A_74 = %scan3A_50 to %scan3A_52 step %scan3A_53  : i32 {
      %rem3A = arith.constant 2 : i32
      %rem3A_75 = arith.remsi %scan3A_74, %rem3A : i32
      %eq3A = arith.constant 0 : i32
      %eq3A_76 = arith.cmpi eq, %rem3A_75, %eq3A : i32
      %convert_element_type3A = arith.extui %eq3A_76 : i1 to i32
      %cond3A = arith.constant 0 : i32
      %cond3A_77 = arith.cmpi ne, %convert_element_type3A, %cond3A : i32
      scf.if %cond3A_77 {
        %mul3A_85 = arith.constant 80 : i32
        %mul3A_86 = arith.muli %scan3A_74, %mul3A_85 : i32
        %dma_wait3A_87 = tpu.memref_slice %arg8[%mul3A_86] : memref<10000xi32, #tpu.memory_space<vmem>> -> memref<80xi32, #tpu.memory_space<vmem>>
        %dma_wait3A_88 = arith.constant 0 : i32
        %dma_wait3A_89 = arith.constant 0 : i32
        %dma_wait3A_90 = tpu.memref_slice %arg2[%dma_wait3A_88, %dma_wait3A_89] : memref<40000x128xf32, #tpu.memory_space<hbm>> -> memref<40000x128xf32, #tpu.memory_space<hbm>>
        tpu.wait_indirect_dma semaphore(%arg12 : memref<!tpu.dma_semaphore, #tpu.memory_space<semaphore_mem>>) src(%dma_wait3A_90 : memref<40000x128xf32, #tpu.memory_space<hbm>>) dst(%arg10 : memref<80x128xf32, #tpu.memory_space<vmem>>)
        %dma_start3A_91 = arith.constant 0 : i32
        %dma_start3A_92 = tpu.memref_slice %arg9[%scan3A_74, %dma_start3A_91] : memref<125x80xi32, #tpu.memory_space<vmem>> -> memref<1x80xi32, #tpu.memory_space<vmem>>
        %dma_start3A_93 = tpu.memref_squeeze %dma_start3A_92 : memref<1x80xi32, #tpu.memory_space<vmem>> -> memref<80xi32, #tpu.memory_space<vmem>>
        %dma_start3A_94 = arith.constant 0 : i32
        %dma_start3A_95 = arith.constant 0 : i32
        %dma_start3A_96 = tpu.memref_slice %arg7[%dma_start3A_94, %dma_start3A_95] : memref<10112x128xf32, #tpu.memory_space<vmem_shared>> -> memref<10112x128xf32, #tpu.memory_space<vmem_shared>>
        tpu.enqueue_indirect_dma source(%arg10 : memref<80x128xf32, #tpu.memory_space<vmem>>) target(%dma_start3A_96 : memref<10112x128xf32, #tpu.memory_space<vmem_shared>>) offsets(%dma_start3A_93 : memref<80xi32, #tpu.memory_space<vmem>>) semaphore(%arg14 : memref<!tpu.dma_semaphore, #tpu.memory_space<semaphore_mem>>) {add = true}
        %add3A_97 = arith.constant 1 : i32
        %add3A_98 = arith.addi %scan3A_74, %add3A_97 : i32
        %lt3A = arith.constant 125 : i32
        %lt3A_99 = arith.cmpi slt, %add3A_98, %lt3A : i32
        %convert_element_type3A_100 = arith.extui %lt3A_99 : i1 to i32
        %cond3A_101 = arith.constant 0 : i32
        %cond3A_102 = arith.cmpi ne, %convert_element_type3A_100, %cond3A_101 : i32
        scf.if %cond3A_102 {
          %ge3A = arith.constant 1 : i32
          %ge3A_103 = arith.cmpi sge, %scan3A_74, %ge3A : i32
          %convert_element_type3A_104 = arith.extui %ge3A_103 : i1 to i32
          %cond3A_105 = arith.constant 0 : i32
          %cond3A_106 = arith.cmpi ne, %convert_element_type3A_104, %cond3A_105 : i32
          scf.if %cond3A_106 {
            %dma_wait3A_115 = arith.constant 0 : i32
            %dma_wait3A_116 = arith.constant 0 : i32
            %dma_wait3A_117 = tpu.memref_slice %arg9[%dma_wait3A_115, %dma_wait3A_116] : memref<125x80xi32, #tpu.memory_space<vmem>> -> memref<1x80xi32, #tpu.memory_space<vmem>>
            %dma_wait3A_118 = tpu.memref_squeeze %dma_wait3A_117 : memref<1x80xi32, #tpu.memory_space<vmem>> -> memref<80xi32, #tpu.memory_space<vmem>>
            %dma_wait3A_119 = arith.constant 0 : i32
            %dma_wait3A_120 = arith.constant 0 : i32
            %dma_wait3A_121 = tpu.memref_slice %arg7[%dma_wait3A_119, %dma_wait3A_120] : memref<10112x128xf32, #tpu.memory_space<vmem_shared>> -> memref<10112x128xf32, #tpu.memory_space<vmem_shared>>
            tpu.wait_indirect_dma semaphore(%arg15 : memref<!tpu.dma_semaphore, #tpu.memory_space<semaphore_mem>>) src(%arg11 : memref<80x128xf32, #tpu.memory_space<vmem>>) dst(%dma_wait3A_121 : memref<10112x128xf32, #tpu.memory_space<vmem_shared>>)
          } else {
          }
          %add3A_107 = arith.constant 1 : i32
          %add3A_108 = arith.addi %scan3A_74, %add3A_107 : i32
          %mul3A_109 = arith.constant 80 : i32
          %mul3A_110 = arith.muli %add3A_108, %mul3A_109 : i32
          %dma_start3A_111 = tpu.memref_slice %arg8[%mul3A_110] : memref<10000xi32, #tpu.memory_space<vmem>> -> memref<80xi32, #tpu.memory_space<vmem>>
          %dma_start3A_112 = arith.constant 0 : i32
          %dma_start3A_113 = arith.constant 0 : i32
          %dma_start3A_114 = tpu.memref_slice %arg2[%dma_start3A_112, %dma_start3A_113] : memref<40000x128xf32, #tpu.memory_space<hbm>> -> memref<40000x128xf32, #tpu.memory_space<hbm>>
          tpu.enqueue_indirect_dma source(%dma_start3A_114 : memref<40000x128xf32, #tpu.memory_space<hbm>>) target(%arg11 : memref<80x128xf32, #tpu.memory_space<vmem>>) offsets(%dma_start3A_111 : memref<80xi32, #tpu.memory_space<vmem>>) semaphore(%arg13 : memref<!tpu.dma_semaphore, #tpu.memory_space<semaphore_mem>>)
        } else {
        }
      } else {
      }
      %rem3A_78 = arith.constant 2 : i32
      %rem3A_79 = arith.remsi %scan3A_74, %rem3A_78 : i32
      %eq3A_80 = arith.constant 1 : i32
      %eq3A_81 = arith.cmpi eq, %rem3A_79, %eq3A_80 : i32
      %convert_element_type3A_82 = arith.extui %eq3A_81 : i1 to i32
      %cond3A_83 = arith.constant 0 : i32
      %cond3A_84 = arith.cmpi ne, %convert_element_type3A_82, %cond3A_83 : i32
      scf.if %cond3A_84 {
        %mul3A_85 = arith.constant 80 : i32
        %mul3A_86 = arith.muli %scan3A_74, %mul3A_85 : i32
        %dma_wait3A_87 = tpu.memref_slice %arg8[%mul3A_86] : memref<10000xi32, #tpu.memory_space<vmem>> -> memref<80xi32, #tpu.memory_space<vmem>>
        %dma_wait3A_88 = arith.constant 0 : i32
        %dma_wait3A_89 = arith.constant 0 : i32
        %dma_wait3A_90 = tpu.memref_slice %arg2[%dma_wait3A_88, %dma_wait3A_89] : memref<40000x128xf32, #tpu.memory_space<hbm>> -> memref<40000x128xf32, #tpu.memory_space<hbm>>
        tpu.wait_indirect_dma semaphore(%arg13 : memref<!tpu.dma_semaphore, #tpu.memory_space<semaphore_mem>>) src(%dma_wait3A_90 : memref<40000x128xf32, #tpu.memory_space<hbm>>) dst(%arg11 : memref<80x128xf32, #tpu.memory_space<vmem>>)
        %dma_start3A_91 = arith.constant 0 : i32
        %dma_start3A_92 = tpu.memref_slice %arg9[%scan3A_74, %dma_start3A_91] : memref<125x80xi32, #tpu.memory_space<vmem>> -> memref<1x80xi32, #tpu.memory_space<vmem>>
        %dma_start3A_93 = tpu.memref_squeeze %dma_start3A_92 : memref<1x80xi32, #tpu.memory_space<vmem>> -> memref<80xi32, #tpu.memory_space<vmem>>
        %dma_start3A_94 = arith.constant 0 : i32
        %dma_start3A_95 = arith.constant 0 : i32
        %dma_start3A_96 = tpu.memref_slice %arg7[%dma_start3A_94, %dma_start3A_95] : memref<10112x128xf32, #tpu.memory_space<vmem_shared>> -> memref<10112x128xf32, #tpu.memory_space<vmem_shared>>
        tpu.enqueue_indirect_dma source(%arg11 : memref<80x128xf32, #tpu.memory_space<vmem>>) target(%dma_start3A_96 : memref<10112x128xf32, #tpu.memory_space<vmem_shared>>) offsets(%dma_start3A_93 : memref<80xi32, #tpu.memory_space<vmem>>) semaphore(%arg15 : memref<!tpu.dma_semaphore, #tpu.memory_space<semaphore_mem>>) {add = true}
        %add3A_97 = arith.constant 1 : i32
        %add3A_98 = arith.addi %scan3A_74, %add3A_97 : i32
        %lt3A = arith.constant 125 : i32
        %lt3A_99 = arith.cmpi slt, %add3A_98, %lt3A : i32
        %convert_element_type3A_100 = arith.extui %lt3A_99 : i1 to i32
        %cond3A_101 = arith.constant 0 : i32
        %cond3A_102 = arith.cmpi ne, %convert_element_type3A_100, %cond3A_101 : i32
        scf.if %cond3A_102 {
          %ge3A = arith.constant 1 : i32
          %ge3A_103 = arith.cmpi sge, %scan3A_74, %ge3A : i32
          %convert_element_type3A_104 = arith.extui %ge3A_103 : i1 to i32
          %cond3A_105 = arith.constant 0 : i32
          %cond3A_106 = arith.cmpi ne, %convert_element_type3A_104, %cond3A_105 : i32
          scf.if %cond3A_106 {
            %dma_wait3A_115 = arith.constant 0 : i32
            %dma_wait3A_116 = arith.constant 0 : i32
            %dma_wait3A_117 = tpu.memref_slice %arg9[%dma_wait3A_115, %dma_wait3A_116] : memref<125x80xi32, #tpu.memory_space<vmem>> -> memref<1x80xi32, #tpu.memory_space<vmem>>
            %dma_wait3A_118 = tpu.memref_squeeze %dma_wait3A_117 : memref<1x80xi32, #tpu.memory_space<vmem>> -> memref<80xi32, #tpu.memory_space<vmem>>
            %dma_wait3A_119 = arith.constant 0 : i32
            %dma_wait3A_120 = arith.constant 0 : i32
            %dma_wait3A_121 = tpu.memref_slice %arg7[%dma_wait3A_119, %dma_wait3A_120] : memref<10112x128xf32, #tpu.memory_space<vmem_shared>> -> memref<10112x128xf32, #tpu.memory_space<vmem_shared>>
            tpu.wait_indirect_dma semaphore(%arg14 : memref<!tpu.dma_semaphore, #tpu.memory_space<semaphore_mem>>) src(%arg10 : memref<80x128xf32, #tpu.memory_space<vmem>>) dst(%dma_wait3A_121 : memref<10112x128xf32, #tpu.memory_space<vmem_shared>>)
          } else {
          }
          %add3A_107 = arith.constant 1 : i32
          %add3A_108 = arith.addi %scan3A_74, %add3A_107 : i32
          %mul3A_109 = arith.constant 80 : i32
          %mul3A_110 = arith.muli %add3A_108, %mul3A_109 : i32
          %dma_start3A_111 = tpu.memref_slice %arg8[%mul3A_110] : memref<10000xi32, #tpu.memory_space<vmem>> -> memref<80xi32, #tpu.memory_space<vmem>>
          %dma_start3A_112 = arith.constant 0 : i32
          %dma_start3A_113 = arith.constant 0 : i32
          %dma_start3A_114 = tpu.memref_slice %arg2[%dma_start3A_112, %dma_start3A_113] : memref<40000x128xf32, #tpu.memory_space<hbm>> -> memref<40000x128xf32, #tpu.memory_space<hbm>>
          tpu.enqueue_indirect_dma source(%dma_start3A_114 : memref<40000x128xf32, #tpu.memory_space<hbm>>) target(%arg10 : memref<80x128xf32, #tpu.memory_space<vmem>>) offsets(%dma_start3A_111 : memref<80xi32, #tpu.memory_space<vmem>>) semaphore(%arg12 : memref<!tpu.dma_semaphore, #tpu.memory_space<semaphore_mem>>)
        } else {
        }
      } else {
      }
    }
    %scan3A_54 = arith.constant 125 : i32
    %dma_wait3A_55 = arith.constant 0 : i32
    %dma_wait3A_56 = arith.constant 0 : i32
    %dma_wait3A_57 = tpu.memref_slice %arg9[%dma_wait3A_55, %dma_wait3A_56] : memref<125x80xi32, #tpu.memory_space<vmem>> -> memref<1x80xi32, #tpu.memory_space<vmem>>
    %dma_wait3A_58 = tpu.memref_squeeze %dma_wait3A_57 : memref<1x80xi32, #tpu.memory_space<vmem>> -> memref<80xi32, #tpu.memory_space<vmem>>
    %dma_wait3A_59 = arith.constant 0 : i32
    %dma_wait3A_60 = arith.constant 0 : i32
    %dma_wait3A_61 = tpu.memref_slice %arg7[%dma_wait3A_59, %dma_wait3A_60] : memref<10112x128xf32, #tpu.memory_space<vmem_shared>> -> memref<10112x128xf32, #tpu.memory_space<vmem_shared>>
    tpu.wait_indirect_dma semaphore(%arg14 : memref<!tpu.dma_semaphore, #tpu.memory_space<semaphore_mem>>) src(%arg10 : memref<80x128xf32, #tpu.memory_space<vmem>>) dst(%dma_wait3A_61 : memref<10112x128xf32, #tpu.memory_space<vmem_shared>>)
    %dma_wait3A_62 = arith.constant 0 : i32
    %dma_wait3A_63 = arith.constant 0 : i32
    %dma_wait3A_64 = tpu.memref_slice %arg9[%dma_wait3A_62, %dma_wait3A_63] : memref<125x80xi32, #tpu.memory_space<vmem>> -> memref<1x80xi32, #tpu.memory_space<vmem>>
    %dma_wait3A_65 = tpu.memref_squeeze %dma_wait3A_64 : memref<1x80xi32, #tpu.memory_space<vmem>> -> memref<80xi32, #tpu.memory_space<vmem>>
    %dma_wait3A_66 = arith.constant 0 : i32
    %dma_wait3A_67 = arith.constant 0 : i32
    %dma_wait3A_68 = tpu.memref_slice %arg7[%dma_wait3A_66, %dma_wait3A_67] : memref<10112x128xf32, #tpu.memory_space<vmem_shared>> -> memref<10112x128xf32, #tpu.memory_space<vmem_shared>>
    tpu.wait_indirect_dma semaphore(%arg15 : memref<!tpu.dma_semaphore, #tpu.memory_space<semaphore_mem>>) src(%arg11 : memref<80x128xf32, #tpu.memory_space<vmem>>) dst(%dma_wait3A_68 : memref<10112x128xf32, #tpu.memory_space<vmem_shared>>)
    %barrier3A_69 = arith.constant 0 : index
    tpu.barrier barrier_id(%barrier3A_69)
    %mul3A_70 = arith.constant 10112 : i32
    %mul3A_71 = arith.muli %add3A_36, %mul3A_70 : i32
    %add3A_72 = arith.addi %mul3A_71, %mul3A_0 : i32
    "tpu.region"() ({
      %run_scoped3A = tpu.sem_alloc : memref<!tpu.dma_semaphore, #tpu.memory_space<semaphore_mem>>
      %dma_start3A_74 = arith.constant 0 : i32
      %dma_start3A_75 = tpu.memref_slice %arg6[%add3A_72, %dma_start3A_74] : memref<40448x128xf32, #tpu.memory_space<hbm>> -> memref<632x128xf32, #tpu.memory_space<hbm>>
      %dma_start3A_76 = arith.constant 0 : i32
      %dma_start3A_77 = tpu.memref_slice %arg7[%mul3A_0, %dma_start3A_76] : memref<10112x128xf32, #tpu.memory_space<vmem_shared>> -> memref<632x128xf32, #tpu.memory_space<vmem_shared>>
      tpu.enqueue_dma source(%dma_start3A_77 : memref<632x128xf32, #tpu.memory_space<vmem_shared>>) target(%dma_start3A_75 : memref<632x128xf32, #tpu.memory_space<hbm>>) target_semaphore(%run_scoped3A : memref<!tpu.dma_semaphore, #tpu.memory_space<semaphore_mem>>)
      %dma_wait3A_78 = arith.constant 0 : i32
      %dma_wait3A_79 = tpu.memref_slice %arg6[%add3A_72, %dma_wait3A_78] : memref<40448x128xf32, #tpu.memory_space<hbm>> -> memref<632x128xf32, #tpu.memory_space<hbm>>
      %dma_wait3A_80 = arith.constant 0 : i32
      %dma_wait3A_81 = tpu.memref_slice %arg7[%mul3A_0, %dma_wait3A_80] : memref<10112x128xf32, #tpu.memory_space<vmem_shared>> -> memref<632x128xf32, #tpu.memory_space<vmem_shared>>
      tpu.wait_dma2 semaphore(%run_scoped3A : memref<!tpu.dma_semaphore, #tpu.memory_space<semaphore_mem>>) src(%dma_wait3A_81 : memref<632x128xf32, #tpu.memory_space<vmem_shared>>) dst(%dma_wait3A_79 : memref<632x128xf32, #tpu.memory_space<hbm>>)
      tpu.yield
    }) : () -> ()
    %barrier3A_73 = arith.constant 0 : index
    tpu.barrier barrier_id(%barrier3A_73)
    return
  }
}

module attributes {stable_mosaic.version = 14 : i64} {
  func.func @body(%arg0: i32, %arg1: memref<2x1000x128xf32, #tpu.memory_space<vmem>>, %arg2: memref<2x1000x128xf32, #tpu.memory_space<vmem>>, %arg3: memref<1000x256xf32, #tpu.memory_space<vmem>>, %arg4: memref<512x512xf32, #tpu.memory_space<vmem>>, %arg5: memref<1x512xf32, #tpu.memory_space<vmem>>, %arg6: memref<1000x512xf32, #tpu.memory_space<vmem>>) attributes {dimension_semantics = [#tpu.dimension_semantics<arbitrary>], iteration_bounds = array<i64: 10>, scalar_prefetch = 0 : i64, scratch_operands = 0 : i64, tpu.core_type = #tpu.core_type<tc>, window_params = [{transform_indices = @transform_0, window_bounds = array<i64: 2, 1000, 128>}, {transform_indices = @transform_1, window_bounds = array<i64: 2, 1000, 128>}, {transform_indices = @transform_2, window_bounds = array<i64: 1000, 256>}, {pipeline_mode = #tpu.pipeline_mode<synchronous>, transform_indices = @transform_3, window_bounds = array<i64: 512, 512>}, {pipeline_mode = #tpu.pipeline_mode<synchronous>, transform_indices = @transform_4, window_bounds = array<i64: 1, 512>}, {transform_indices = @transform_5, window_bounds = array<i64: 1000, 512>}]} {
    %get3A = arith.constant 0 : index
    %get3A_0 = arith.constant 0 : index
    %get3A_1 = arith.constant 0 : index
    %get3A_2 = vector.load %arg2[%get3A, %get3A_0, %get3A_1] : memref<2x1000x128xf32, #tpu.memory_space<vmem>>, vector<1x1000x128xf32>
    %get3A_3 = vector.shape_cast %get3A_2 : vector<1x1000x128xf32> to vector<1000x128xf32>
    %get3A_4 = arith.constant 1 : index
    %get3A_5 = arith.constant 0 : index
    %get3A_6 = arith.constant 0 : index
    %get3A_7 = vector.load %arg2[%get3A_4, %get3A_5, %get3A_6] : memref<2x1000x128xf32, #tpu.memory_space<vmem>>, vector<1x1000x128xf32>
    %get3A_8 = vector.shape_cast %get3A_7 : vector<1x1000x128xf32> to vector<1000x128xf32>
    %add3A = arith.addf %get3A_3, %get3A_8 : vector<1000x128xf32>
    %slice3A = vector.extract_strided_slice %add3A {offsets = [0, 0], sizes = [1000, 1], strides = [1, 1]} : vector<1000x128xf32> to vector<1000x1xf32>
    %max3A = arith.constant 1.000000e+00 : f32
    %max3A_9 = vector.broadcast %max3A : f32 to vector<1000x1xf32>
    %max3A_10 = arith.maximumf %slice3A, %max3A_9 : vector<1000x1xf32>
    %div3A = arith.constant 1.000000e+00 : f32
    %div3A_11 = vector.broadcast %div3A : f32 to vector<1000x1xf32>
    %div3A_12 = arith.divf %div3A_11, %max3A_10 : vector<1000x1xf32>
    %get3A_13 = arith.constant 0 : index
    %get3A_14 = arith.constant 0 : index
    %get3A_15 = arith.constant 0 : index
    %get3A_16 = vector.load %arg1[%get3A_13, %get3A_14, %get3A_15] : memref<2x1000x128xf32, #tpu.memory_space<vmem>>, vector<1x1000x128xf32>
    %get3A_17 = vector.shape_cast %get3A_16 : vector<1x1000x128xf32> to vector<1000x128xf32>
    %mul3A = vector.broadcast %div3A_12 : vector<1000x1xf32> to vector<1000x128xf32>
    %mul3A_18 = arith.mulf %get3A_17, %mul3A : vector<1000x128xf32>
    %get3A_19 = arith.constant 1 : index
    %get3A_20 = arith.constant 0 : index
    %get3A_21 = arith.constant 0 : index
    %get3A_22 = vector.load %arg1[%get3A_19, %get3A_20, %get3A_21] : memref<2x1000x128xf32, #tpu.memory_space<vmem>>, vector<1x1000x128xf32>
    %get3A_23 = vector.shape_cast %get3A_22 : vector<1x1000x128xf32> to vector<1000x128xf32>
    %mul3A_24 = vector.broadcast %div3A_12 : vector<1000x1xf32> to vector<1000x128xf32>
    %mul3A_25 = arith.mulf %get3A_23, %mul3A_24 : vector<1000x128xf32>
    %get3A_26 = arith.constant 0 : index
    %get3A_27 = arith.constant 0 : index
    %get3A_28 = vector.load %arg3[%get3A_26, %get3A_27] : memref<1000x256xf32, #tpu.memory_space<vmem>>, vector<1000x256xf32>
    %concatenate3A = tpu.concatenate %mul3A_18, %mul3A_25, %get3A_28 in 1 : vector<1000x128xf32>, vector<1000x128xf32>, vector<1000x256xf32> -> vector<1000x512xf32>
    %convert_element_type3A = arith.truncf %concatenate3A : vector<1000x512xf32> to vector<1000x512xbf16>
    %get3A_29 = arith.constant 0 : index
    %get3A_30 = arith.constant 0 : index
    %get3A_31 = vector.load %arg4[%get3A_29, %get3A_30] : memref<512x512xf32, #tpu.memory_space<vmem>>, vector<512x512xf32>
    %convert_element_type3A_32 = arith.truncf %get3A_31 : vector<512x512xf32> to vector<512x512xbf16>
    %dot_general3A = arith.constant dense<0.000000e+00> : vector<1000x512xf32>
    %dot_general3A_33 = tpu.matmul %convert_element_type3A, %convert_element_type3A_32, %dot_general3A {dimension_numbers = #tpu.dot_dimension_numbers<[1], [0], [0], [1], [0, 0, 1, 1], [], []>, transpose_lhs_hint = false} : vector<1000x512xbf16>, vector<512x512xbf16>, vector<1000x512xf32> -> vector<1000x512xf32>
    %get3A_34 = arith.constant 0 : index
    %get3A_35 = arith.constant 0 : index
    %get3A_36 = vector.load %arg5[%get3A_34, %get3A_35] : memref<1x512xf32, #tpu.memory_space<vmem>>, vector<1x512xf32>
    %add3A_37 = vector.broadcast %get3A_36 : vector<1x512xf32> to vector<1000x512xf32>
    %add3A_38 = arith.addf %dot_general3A_33, %add3A_37 : vector<1000x512xf32>
    %max3A_39 = arith.constant 0.000000e+00 : f32
    %max3A_40 = vector.broadcast %max3A_39 : f32 to vector<1000x512xf32>
    %max3A_41 = arith.maximumf %add3A_38, %max3A_40 : vector<1000x512xf32>
    %swap3A = arith.constant 0 : index
    %swap3A_42 = arith.constant 0 : index
    %swap3A_43 = vector.load %arg6[%swap3A, %swap3A_42] : memref<1000x512xf32, #tpu.memory_space<vmem>>, vector<1000x512xf32>
    tpu.vector_store %arg6[%swap3A, %swap3A_42], %max3A_41 {strides = array<i32>} : memref<1000x512xf32, #tpu.memory_space<vmem>>, vector<1000x512xf32>,
    return
  }
  func.func @transform_0(%arg0: i32) -> (i32, i32, i32) {
    %c0_i32 = arith.constant 0 : i32
    %c0_i32_0 = arith.constant 0 : i32
    %c0_i32_1 = arith.constant 0 : i32
    return %c0_i32, %arg0, %c0_i32_0 : i32, i32, i32
  }
  func.func @transform_1(%arg0: i32) -> (i32, i32, i32) {
    %c0_i32 = arith.constant 0 : i32
    %c0_i32_0 = arith.constant 0 : i32
    %c0_i32_1 = arith.constant 0 : i32
    return %c0_i32, %arg0, %c0_i32_0 : i32, i32, i32
  }
  func.func @transform_2(%arg0: i32) -> (i32, i32) {
    %c0_i32 = arith.constant 0 : i32
    %c0_i32_0 = arith.constant 0 : i32
    return %arg0, %c0_i32 : i32, i32
  }
  func.func @transform_3(%arg0: i32) -> (i32, i32) {
    %c0_i32 = arith.constant 0 : i32
    %c0_i32_0 = arith.constant 0 : i32
    %c0_i32_1 = arith.constant 0 : i32
    return %c0_i32, %c0_i32_0 : i32, i32
  }
  func.func @transform_4(%arg0: i32) -> (i32, i32) {
    %c0_i32 = arith.constant 0 : i32
    %c0_i32_0 = arith.constant 0 : i32
    %c0_i32_1 = arith.constant 0 : i32
    return %c0_i32, %c0_i32_0 : i32, i32
  }
  func.func @transform_5(%arg0: i32) -> (i32, i32) {
    %c0_i32 = arith.constant 0 : i32
    %c0_i32_0 = arith.constant 0 : i32
    return %arg0, %c0_i32 : i32, i32
  }
}

module attributes {stable_mosaic.version = 14 : i64} {
  func.func @body(%arg0: i32, %arg1: memref<4x1000x128xf32, #tpu.memory_space<vmem>>, %arg2: memref<2x1000x128xf32, #tpu.memory_space<vmem>>, %arg3: memref<1000x512xf32, #tpu.memory_space<vmem>>, %arg4: memref<1x1x1000xi32, #tpu.memory_space<vmem>>, %arg5: memref<16x8xf32, #tpu.memory_space<vmem>>, %arg6: memref<1024x512xf32, #tpu.memory_space<vmem>>, %arg7: memref<1x512xf32, #tpu.memory_space<vmem>>, %arg8: memref<512x128xf32, #tpu.memory_space<vmem>>, %arg9: memref<8x128xf32, #tpu.memory_space<vmem>>, %arg10: memref<1x128xf32, #tpu.memory_space<vmem>>, %arg11: memref<128x64xf32, #tpu.memory_space<vmem>>, %arg12: memref<1x64xf32, #tpu.memory_space<vmem>>, %arg13: memref<64x3xf32, #tpu.memory_space<vmem>>, %arg14: memref<1x3xf32, #tpu.memory_space<vmem>>, %arg15: memref<1000x512xf32, #tpu.memory_space<vmem>>, %arg16: memref<16x3xf32, #tpu.memory_space<vmem>>, %arg17: memref<16x512xf32, #tpu.memory_space<vmem>>, %arg18: memref<16x128xf32, #tpu.memory_space<vmem>>) attributes {dimension_semantics = [#tpu.dimension_semantics<arbitrary>], iteration_bounds = array<i64: 10>, scalar_prefetch = 0 : i64, scratch_operands = 2 : i64, tpu.core_type = #tpu.core_type<tc>, window_params = [{transform_indices = @transform_0, window_bounds = array<i64: 4, 1000, 128>}, {transform_indices = @transform_1, window_bounds = array<i64: 2, 1000, 128>}, {transform_indices = @transform_2, window_bounds = array<i64: 1000, 512>}, {transform_indices = @transform_3, window_bounds = array<i64: 1, 1, 1000>}, {pipeline_mode = #tpu.pipeline_mode<synchronous>, transform_indices = @transform_4, window_bounds = array<i64: 16, 8>}, {pipeline_mode = #tpu.pipeline_mode<synchronous>, transform_indices = @transform_5, window_bounds = array<i64: 1024, 512>}, {pipeline_mode = #tpu.pipeline_mode<synchronous>, transform_indices = @transform_6, window_bounds = array<i64: 1, 512>}, {pipeline_mode = #tpu.pipeline_mode<synchronous>, transform_indices = @transform_7, window_bounds = array<i64: 512, 128>}, {pipeline_mode = #tpu.pipeline_mode<synchronous>, transform_indices = @transform_8, window_bounds = array<i64: 8, 128>}, {pipeline_mode = #tpu.pipeline_mode<synchronous>, transform_indices = @transform_9, window_bounds = array<i64: 1, 128>}, {pipeline_mode = #tpu.pipeline_mode<synchronous>, transform_indices = @transform_10, window_bounds = array<i64: 128, 64>}, {pipeline_mode = #tpu.pipeline_mode<synchronous>, transform_indices = @transform_11, window_bounds = array<i64: 1, 64>}, {pipeline_mode = #tpu.pipeline_mode<synchronous>, transform_indices = @transform_12, window_bounds = array<i64: 64, 3>}, {pipeline_mode = #tpu.pipeline_mode<synchronous>, transform_indices = @transform_13, window_bounds = array<i64: 1, 3>}, {transform_indices = @transform_14, window_bounds = array<i64: 1000, 512>}, {pipeline_mode = #tpu.pipeline_mode<synchronous>, transform_indices = @transform_15, window_bounds = array<i64: 16, 3>}]} {
    %get3A = arith.constant 0 : index
    %get3A_0 = arith.constant 0 : index
    %get3A_1 = arith.constant 0 : index
    %get3A_2 = vector.load %arg2[%get3A, %get3A_0, %get3A_1] : memref<2x1000x128xf32, #tpu.memory_space<vmem>>, vector<1x1000x128xf32>
    %get3A_3 = vector.shape_cast %get3A_2 : vector<1x1000x128xf32> to vector<1000x128xf32>
    %get3A_4 = arith.constant 1 : index
    %get3A_5 = arith.constant 0 : index
    %get3A_6 = arith.constant 0 : index
    %get3A_7 = vector.load %arg2[%get3A_4, %get3A_5, %get3A_6] : memref<2x1000x128xf32, #tpu.memory_space<vmem>>, vector<1x1000x128xf32>
    %get3A_8 = vector.shape_cast %get3A_7 : vector<1x1000x128xf32> to vector<1000x128xf32>
    %add3A = arith.addf %get3A_3, %get3A_8 : vector<1000x128xf32>
    %slice3A = vector.extract_strided_slice %add3A {offsets = [0, 0], sizes = [1000, 1], strides = [1, 1]} : vector<1000x128xf32> to vector<1000x1xf32>
    %max3A = arith.constant 1.000000e+00 : f32
    %max3A_9 = vector.broadcast %max3A : f32 to vector<1000x1xf32>
    %max3A_10 = arith.maximumf %slice3A, %max3A_9 : vector<1000x1xf32>
    %div3A = arith.constant 1.000000e+00 : f32
    %div3A_11 = vector.broadcast %div3A : f32 to vector<1000x1xf32>
    %div3A_12 = arith.divf %div3A_11, %max3A_10 : vector<1000x1xf32>
    %get3A_13 = arith.constant 0 : index
    %get3A_14 = arith.constant 0 : index
    %get3A_15 = arith.constant 0 : index
    %get3A_16 = vector.load %arg1[%get3A_13, %get3A_14, %get3A_15] : memref<4x1000x128xf32, #tpu.memory_space<vmem>>, vector<1x1000x128xf32>
    %get3A_17 = vector.shape_cast %get3A_16 : vector<1x1000x128xf32> to vector<1000x128xf32>
    %mul3A = vector.broadcast %div3A_12 : vector<1000x1xf32> to vector<1000x128xf32>
    %mul3A_18 = arith.mulf %get3A_17, %mul3A : vector<1000x128xf32>
    %get3A_19 = arith.constant 1 : index
    %get3A_20 = arith.constant 0 : index
    %get3A_21 = arith.constant 0 : index
    %get3A_22 = vector.load %arg1[%get3A_19, %get3A_20, %get3A_21] : memref<4x1000x128xf32, #tpu.memory_space<vmem>>, vector<1x1000x128xf32>
    %get3A_23 = vector.shape_cast %get3A_22 : vector<1x1000x128xf32> to vector<1000x128xf32>
    %mul3A_24 = vector.broadcast %div3A_12 : vector<1000x1xf32> to vector<1000x128xf32>
    %mul3A_25 = arith.mulf %get3A_23, %mul3A_24 : vector<1000x128xf32>
    %get3A_26 = arith.constant 2 : index
    %get3A_27 = arith.constant 0 : index
    %get3A_28 = arith.constant 0 : index
    %get3A_29 = vector.load %arg1[%get3A_26, %get3A_27, %get3A_28] : memref<4x1000x128xf32, #tpu.memory_space<vmem>>, vector<1x1000x128xf32>
    %get3A_30 = vector.shape_cast %get3A_29 : vector<1x1000x128xf32> to vector<1000x128xf32>
    %mul3A_31 = vector.broadcast %div3A_12 : vector<1000x1xf32> to vector<1000x128xf32>
    %mul3A_32 = arith.mulf %get3A_30, %mul3A_31 : vector<1000x128xf32>
    %get3A_33 = arith.constant 3 : index
    %get3A_34 = arith.constant 0 : index
    %get3A_35 = arith.constant 0 : index
    %get3A_36 = vector.load %arg1[%get3A_33, %get3A_34, %get3A_35] : memref<4x1000x128xf32, #tpu.memory_space<vmem>>, vector<1x1000x128xf32>
    %get3A_37 = vector.shape_cast %get3A_36 : vector<1x1000x128xf32> to vector<1000x128xf32>
    %mul3A_38 = vector.broadcast %div3A_12 : vector<1000x1xf32> to vector<1000x128xf32>
    %mul3A_39 = arith.mulf %get3A_37, %mul3A_38 : vector<1000x128xf32>
    %get3A_40 = arith.constant 0 : index
    %get3A_41 = arith.constant 0 : index
    %get3A_42 = vector.load %arg3[%get3A_40, %get3A_41] : memref<1000x512xf32, #tpu.memory_space<vmem>>, vector<1000x512xf32>
    %concatenate3A = tpu.concatenate %mul3A_18, %mul3A_25, %mul3A_32, %mul3A_39, %get3A_42 in 1 : vector<1000x128xf32>, vector<1000x128xf32>, vector<1000x128xf32>, vector<1000x128xf32>, vector<1000x512xf32> -> vector<1000x1024xf32>
    %convert_element_type3A = arith.truncf %concatenate3A : vector<1000x1024xf32> to vector<1000x1024xbf16>
    %get3A_43 = arith.constant 0 : index
    %get3A_44 = arith.constant 0 : index
    %get3A_45 = vector.load %arg6[%get3A_43, %get3A_44] : memref<1024x512xf32, #tpu.memory_space<vmem>>, vector<1024x512xf32>
    %convert_element_type3A_46 = arith.truncf %get3A_45 : vector<1024x512xf32> to vector<1024x512xbf16>
    %dot_general3A = arith.constant dense<0.000000e+00> : vector<1000x512xf32>
    %dot_general3A_47 = tpu.matmul %convert_element_type3A, %convert_element_type3A_46, %dot_general3A {dimension_numbers = #tpu.dot_dimension_numbers<[1], [0], [0], [1], [0, 0, 1, 1], [], []>, transpose_lhs_hint = false} : vector<1000x1024xbf16>, vector<1024x512xbf16>, vector<1000x512xf32> -> vector<1000x512xf32>
    %get3A_48 = arith.constant 0 : index
    %get3A_49 = arith.constant 0 : index
    %get3A_50 = vector.load %arg7[%get3A_48, %get3A_49] : memref<1x512xf32, #tpu.memory_space<vmem>>, vector<1x512xf32>
    %add3A_51 = vector.broadcast %get3A_50 : vector<1x512xf32> to vector<1000x512xf32>
    %add3A_52 = arith.addf %dot_general3A_47, %add3A_51 : vector<1000x512xf32>
    %max3A_53 = arith.constant 0.000000e+00 : f32
    %max3A_54 = vector.broadcast %max3A_53 : f32 to vector<1000x512xf32>
    %max3A_55 = arith.maximumf %add3A_52, %max3A_54 : vector<1000x512xf32>
    %swap3A = arith.constant 0 : index
    %swap3A_56 = arith.constant 0 : index
    %swap3A_57 = vector.load %arg15[%swap3A, %swap3A_56] : memref<1000x512xf32, #tpu.memory_space<vmem>>, vector<1000x512xf32>
    tpu.vector_store %arg15[%swap3A, %swap3A_56], %max3A_55 {strides = array<i32>} : memref<1000x512xf32, #tpu.memory_space<vmem>>, vector<1000x512xf32>,
    %get3A_58 = arith.constant 0 : index
    %get3A_59 = arith.constant 0 : index
    %get3A_60 = arith.constant 0 : index
    %get3A_61 = vector.load %arg4[%get3A_58, %get3A_59, %get3A_60] : memref<1x1x1000xi32, #tpu.memory_space<vmem>>, vector<1x1x1000xi32>
    %get3A_62 = vector.shape_cast %get3A_61 : vector<1x1x1000xi32> to vector<1x1000xi32>
    %iota3A = tpu.iota {dimensions = array<i32: 0>} : vector<16x1000xi32>
    %eq3A = vector.broadcast %get3A_62 : vector<1x1000xi32> to vector<16x1000xi32>
    %eq3A_63 = arith.cmpi eq, %iota3A, %eq3A : vector<16x1000xi32>
    %convert_element_type3A_64 = arith.extui %eq3A_63 : vector<16x1000xi1> to vector<16x1000xi32>
    %convert_element_type3A_65 = arith.sitofp %convert_element_type3A_64 : vector<16x1000xi32> to vector<16x1000xf32>
    %eq3A_66 = arith.constant 0 : i32
    %eq3A_67 = arith.cmpi eq, %arg0, %eq3A_66 : i32
    %convert_element_type3A_68 = arith.extui %eq3A_67 : i1 to i32
    %cond3A = arith.constant 0 : i32
    %cond3A_69 = arith.cmpi ne, %convert_element_type3A_68, %cond3A : i32
    scf.if %cond3A_69 {
      %broadcast_in_dim3A_94 = arith.constant 0.000000e+00 : f32
      %broadcast_in_dim3A_95 = vector.broadcast %broadcast_in_dim3A_94 : f32 to vector<16x512xf32>
      %swap3A_96 = arith.constant 0 : index
      %swap3A_97 = arith.constant 0 : index
      %swap3A_98 = vector.load %arg17[%swap3A_96, %swap3A_97] : memref<16x512xf32, #tpu.memory_space<vmem>>, vector<16x512xf32>
      tpu.vector_store %arg17[%swap3A_96, %swap3A_97], %broadcast_in_dim3A_95 {strides = array<i32>} : memref<16x512xf32, #tpu.memory_space<vmem>>, vector<16x512xf32>,
      %broadcast_in_dim3A_99 = arith.constant 0.000000e+00 : f32
      %broadcast_in_dim3A_100 = vector.broadcast %broadcast_in_dim3A_99 : f32 to vector<16x128xf32>
      %swap3A_101 = arith.constant 0 : index
      %swap3A_102 = arith.constant 0 : index
      %swap3A_103 = vector.load %arg18[%swap3A_101, %swap3A_102] : memref<16x128xf32, #tpu.memory_space<vmem>>, vector<16x128xf32>
      tpu.vector_store %arg18[%swap3A_101, %swap3A_102], %broadcast_in_dim3A_100 {strides = array<i32>} : memref<16x128xf32, #tpu.memory_space<vmem>>, vector<16x128xf32>,
    } else {
    }
    %get3A_70 = arith.constant 0 : index
    %get3A_71 = arith.constant 0 : index
    %get3A_72 = vector.load %arg17[%get3A_70, %get3A_71] : memref<16x512xf32, #tpu.memory_space<vmem>>, vector<16x512xf32>
    %dot_general3A_73 = arith.constant dense<0.000000e+00> : vector<16x512xf32>
    %dot_general3A_74 = tpu.matmul %convert_element_type3A_65, %max3A_55, %dot_general3A_73 {dimension_numbers = #tpu.dot_dimension_numbers<[1], [0], [0], [1], [0, 0, 1, 1], [], []>, transpose_lhs_hint = false} : vector<16x1000xf32>, vector<1000x512xf32>, vector<16x512xf32> -> vector<16x512xf32>
    %add3A_75 = arith.addf %get3A_72, %dot_general3A_74 : vector<16x512xf32>
    %swap3A_76 = arith.constant 0 : index
    %swap3A_77 = arith.constant 0 : index
    %swap3A_78 = vector.load %arg17[%swap3A_76, %swap3A_77] : memref<16x512xf32, #tpu.memory_space<vmem>>, vector<16x512xf32>
    tpu.vector_store %arg17[%swap3A_76, %swap3A_77], %add3A_75 {strides = array<i32>} : memref<16x512xf32, #tpu.memory_space<vmem>>, vector<16x512xf32>,
    %get3A_79 = arith.constant 0 : index
    %get3A_80 = arith.constant 0 : index
    %get3A_81 = vector.load %arg18[%get3A_79, %get3A_80] : memref<16x128xf32, #tpu.memory_space<vmem>>, vector<16x128xf32>
    %reduce_sum3A = arith.constant dense<0.000000e+00> : vector<16xf32>
    %reduce_sum3A_82 = vector.multi_reduction <add>, %convert_element_type3A_65, %reduce_sum3A [1] : vector<16x1000xf32> to vector<16xf32>
    %broadcast_in_dim3A = vector.shape_cast %reduce_sum3A_82 : vector<16xf32> to vector<16x1xf32>
    %broadcast_in_dim3A_83 = vector.shape_cast %broadcast_in_dim3A : vector<16x1xf32> to vector<16x1xf32>
    %broadcast_in_dim3A_84 = vector.broadcast %broadcast_in_dim3A_83 : vector<16x1xf32> to vector<16x128xf32>
    %add3A_85 = arith.addf %get3A_81, %broadcast_in_dim3A_84 : vector<16x128xf32>
    %swap3A_86 = arith.constant 0 : index
    %swap3A_87 = arith.constant 0 : index
    %swap3A_88 = vector.load %arg18[%swap3A_86, %swap3A_87] : memref<16x128xf32, #tpu.memory_space<vmem>>, vector<16x128xf32>
    tpu.vector_store %arg18[%swap3A_86, %swap3A_87], %add3A_85 {strides = array<i32>} : memref<16x128xf32, #tpu.memory_space<vmem>>, vector<16x128xf32>,
    %eq3A_89 = arith.constant 9 : i32
    %eq3A_90 = arith.cmpi eq, %arg0, %eq3A_89 : i32
    %convert_element_type3A_91 = arith.extui %eq3A_90 : i1 to i32
    %cond3A_92 = arith.constant 0 : i32
    %cond3A_93 = arith.cmpi ne, %convert_element_type3A_91, %cond3A_92 : i32
    scf.if %cond3A_93 {
      %get3A_94 = arith.constant 0 : index
      %get3A_95 = arith.constant 0 : index
      %get3A_96 = vector.load %arg17[%get3A_94, %get3A_95] : memref<16x512xf32, #tpu.memory_space<vmem>>, vector<16x512xf32>
      %get3A_97 = arith.constant 0 : index
      %get3A_98 = arith.constant 0 : index
      %get3A_99 = vector.load %arg18[%get3A_97, %get3A_98] : memref<16x128xf32, #tpu.memory_space<vmem>>, vector<16x128xf32>
      %slice3A_100 = vector.extract_strided_slice %get3A_99 {offsets = [0, 0], sizes = [16, 1], strides = [1, 1]} : vector<16x128xf32> to vector<16x1xf32>
      %max3A_101 = arith.constant 1.000000e+00 : f32
      %max3A_102 = vector.broadcast %max3A_101 : f32 to vector<16x1xf32>
      %max3A_103 = arith.maximumf %slice3A_100, %max3A_102 : vector<16x1xf32>
      %div3A_104 = vector.broadcast %max3A_103 : vector<16x1xf32> to vector<16x512xf32>
      %div3A_105 = arith.divf %get3A_96, %div3A_104 : vector<16x512xf32>
      %get3A_106 = arith.constant 0 : index
      %get3A_107 = arith.constant 0 : index
      %get3A_108 = vector.load %arg8[%get3A_106, %get3A_107] : memref<512x128xf32, #tpu.memory_space<vmem>>, vector<512x128xf32>
      %dot_general3A_109 = arith.constant dense<0.000000e+00> : vector<16x128xf32>
      %dot_general3A_110 = tpu.matmul %div3A_105, %get3A_108, %dot_general3A_109 {dimension_numbers = #tpu.dot_dimension_numbers<[1], [0], [0], [1], [0, 0, 1, 1], [], []>, transpose_lhs_hint = false} : vector<16x512xf32>, vector<512x128xf32>, vector<16x128xf32> -> vector<16x128xf32>
      %get3A_111 = arith.constant 0 : index
      %get3A_112 = arith.constant 0 : index
      %get3A_113 = vector.load %arg5[%get3A_111, %get3A_112] : memref<16x8xf32, #tpu.memory_space<vmem>>, vector<16x8xf32>
      %get3A_114 = arith.constant 0 : index
      %get3A_115 = arith.constant 0 : index
      %get3A_116 = vector.load %arg9[%get3A_114, %get3A_115] : memref<8x128xf32, #tpu.memory_space<vmem>>, vector<8x128xf32>
      %dot_general3A_117 = arith.constant dense<0.000000e+00> : vector<16x128xf32>
      %dot_general3A_118 = tpu.matmul %get3A_113, %get3A_116, %dot_general3A_117 {dimension_numbers = #tpu.dot_dimension_numbers<[1], [0], [0], [1], [0, 0, 1, 1], [], []>, transpose_lhs_hint = false} : vector<16x8xf32>, vector<8x128xf32>, vector<16x128xf32> -> vector<16x128xf32>
      %add3A_119 = arith.addf %dot_general3A_110, %dot_general3A_118 : vector<16x128xf32>
      %get3A_120 = arith.constant 0 : index
      %get3A_121 = arith.constant 0 : index
      %get3A_122 = vector.load %arg10[%get3A_120, %get3A_121] : memref<1x128xf32, #tpu.memory_space<vmem>>, vector<1x128xf32>
      %add3A_123 = vector.broadcast %get3A_122 : vector<1x128xf32> to vector<16x128xf32>
      %add3A_124 = arith.addf %add3A_119, %add3A_123 : vector<16x128xf32>
      %max3A_125 = arith.constant 0.000000e+00 : f32
      %max3A_126 = vector.broadcast %max3A_125 : f32 to vector<16x128xf32>
      %max3A_127 = arith.maximumf %add3A_124, %max3A_126 : vector<16x128xf32>
      %get3A_128 = arith.constant 0 : index
      %get3A_129 = arith.constant 0 : index
      %get3A_130 = vector.load %arg11[%get3A_128, %get3A_129] : memref<128x64xf32, #tpu.memory_space<vmem>>, vector<128x64xf32>
      %dot_general3A_131 = arith.constant dense<0.000000e+00> : vector<16x64xf32>
      %dot_general3A_132 = tpu.matmul %max3A_127, %get3A_130, %dot_general3A_131 {dimension_numbers = #tpu.dot_dimension_numbers<[1], [0], [0], [1], [0, 0, 1, 1], [], []>, transpose_lhs_hint = false} : vector<16x128xf32>, vector<128x64xf32>, vector<16x64xf32> -> vector<16x64xf32>
      %get3A_133 = arith.constant 0 : index
      %get3A_134 = arith.constant 0 : index
      %get3A_135 = vector.load %arg12[%get3A_133, %get3A_134] : memref<1x64xf32, #tpu.memory_space<vmem>>, vector<1x64xf32>
      %add3A_136 = vector.broadcast %get3A_135 : vector<1x64xf32> to vector<16x64xf32>
      %add3A_137 = arith.addf %dot_general3A_132, %add3A_136 : vector<16x64xf32>
      %max3A_138 = arith.constant 0.000000e+00 : f32
      %max3A_139 = vector.broadcast %max3A_138 : f32 to vector<16x64xf32>
      %max3A_140 = arith.maximumf %add3A_137, %max3A_139 : vector<16x64xf32>
      %get3A_141 = arith.constant 0 : index
      %get3A_142 = arith.constant 0 : index
      %get3A_143 = vector.load %arg13[%get3A_141, %get3A_142] : memref<64x3xf32, #tpu.memory_space<vmem>>, vector<64x3xf32>
      %dot_general3A_144 = arith.constant dense<0.000000e+00> : vector<16x3xf32>
      %dot_general3A_145 = tpu.matmul %max3A_140, %get3A_143, %dot_general3A_144 {dimension_numbers = #tpu.dot_dimension_numbers<[1], [0], [0], [1], [0, 0, 1, 1], [], []>, transpose_lhs_hint = false} : vector<16x64xf32>, vector<64x3xf32>, vector<16x3xf32> -> vector<16x3xf32>
      %get3A_146 = arith.constant 0 : index
      %get3A_147 = arith.constant 0 : index
      %get3A_148 = vector.load %arg14[%get3A_146, %get3A_147] : memref<1x3xf32, #tpu.memory_space<vmem>>, vector<1x3xf32>
      %add3A_149 = vector.broadcast %get3A_148 : vector<1x3xf32> to vector<16x3xf32>
      %add3A_150 = arith.addf %dot_general3A_145, %add3A_149 : vector<16x3xf32>
      %swap3A_151 = arith.constant 0 : index
      %swap3A_152 = arith.constant 0 : index
      %swap3A_153 = vector.load %arg16[%swap3A_151, %swap3A_152] : memref<16x3xf32, #tpu.memory_space<vmem>>, vector<16x3xf32>
      tpu.vector_store %arg16[%swap3A_151, %swap3A_152], %add3A_150 {strides = array<i32>} : memref<16x3xf32, #tpu.memory_space<vmem>>, vector<16x3xf32>,
    } else {
    }
    return
  }
  func.func @transform_0(%arg0: i32) -> (i32, i32, i32) {
    %c0_i32 = arith.constant 0 : i32
    %c0_i32_0 = arith.constant 0 : i32
    %c0_i32_1 = arith.constant 0 : i32
    return %c0_i32, %arg0, %c0_i32_0 : i32, i32, i32
  }
  func.func @transform_1(%arg0: i32) -> (i32, i32, i32) {
    %c0_i32 = arith.constant 0 : i32
    %c0_i32_0 = arith.constant 0 : i32
    %c0_i32_1 = arith.constant 0 : i32
    return %c0_i32, %arg0, %c0_i32_0 : i32, i32, i32
  }
  func.func @transform_2(%arg0: i32) -> (i32, i32) {
    %c0_i32 = arith.constant 0 : i32
    %c0_i32_0 = arith.constant 0 : i32
    return %arg0, %c0_i32 : i32, i32
  }
  func.func @transform_3(%arg0: i32) -> (i32, i32, i32) {
    %c0_i32 = arith.constant 0 : i32
    %c0_i32_0 = arith.constant 0 : i32
    %c0_i32_1 = arith.constant 0 : i32
    return %arg0, %c0_i32, %c0_i32_0 : i32, i32, i32
  }
  func.func @transform_4(%arg0: i32) -> (i32, i32) {
    %c0_i32 = arith.constant 0 : i32
    %c0_i32_0 = arith.constant 0 : i32
    %c0_i32_1 = arith.constant 0 : i32
    return %c0_i32, %c0_i32_0 : i32, i32
  }
  func.func @transform_5(%arg0: i32) -> (i32, i32) {
    %c0_i32 = arith.constant 0 : i32
    %c0_i32_0 = arith.constant 0 : i32
    %c0_i32_1 = arith.constant 0 : i32
    return %c0_i32, %c0_i32_0 : i32, i32
  }
  func.func @transform_6(%arg0: i32) -> (i32, i32) {
    %c0_i32 = arith.constant 0 : i32
    %c0_i32_0 = arith.constant 0 : i32
    %c0_i32_1 = arith.constant 0 : i32
    return %c0_i32, %c0_i32_0 : i32, i32
  }
  func.func @transform_7(%arg0: i32) -> (i32, i32) {
    %c0_i32 = arith.constant 0 : i32
    %c0_i32_0 = arith.constant 0 : i32
    %c0_i32_1 = arith.constant 0 : i32
    return %c0_i32, %c0_i32_0 : i32, i32
  }
  func.func @transform_8(%arg0: i32) -> (i32, i32) {
    %c0_i32 = arith.constant 0 : i32
    %c0_i32_0 = arith.constant 0 : i32
    %c0_i32_1 = arith.constant 0 : i32
    return %c0_i32, %c0_i32_0 : i32, i32
  }
  func.func @transform_9(%arg0: i32) -> (i32, i32) {
    %c0_i32 = arith.constant 0 : i32
    %c0_i32_0 = arith.constant 0 : i32
    %c0_i32_1 = arith.constant 0 : i32
    return %c0_i32, %c0_i32_0 : i32, i32
  }
  func.func @transform_10(%arg0: i32) -> (i32, i32) {
    %c0_i32 = arith.constant 0 : i32
    %c0_i32_0 = arith.constant 0 : i32
    %c0_i32_1 = arith.constant 0 : i32
    return %c0_i32, %c0_i32_0 : i32, i32
  }
  func.func @transform_11(%arg0: i32) -> (i32, i32) {
    %c0_i32 = arith.constant 0 : i32
    %c0_i32_0 = arith.constant 0 : i32
    %c0_i32_1 = arith.constant 0 : i32
    return %c0_i32, %c0_i32_0 : i32, i32
  }
  func.func @transform_12(%arg0: i32) -> (i32, i32) {
    %c0_i32 = arith.constant 0 : i32
    %c0_i32_0 = arith.constant 0 : i32
    %c0_i32_1 = arith.constant 0 : i32
    return %c0_i32, %c0_i32_0 : i32, i32
  }
  func.func @transform_13(%arg0: i32) -> (i32, i32) {
    %c0_i32 = arith.constant 0 : i32
    %c0_i32_0 = arith.constant 0 : i32
    %c0_i32_1 = arith.constant 0 : i32
    return %c0_i32, %c0_i32_0 : i32, i32
  }
  func.func @transform_14(%arg0: i32) -> (i32, i32) {
    %c0_i32 = arith.constant 0 : i32
    %c0_i32_0 = arith.constant 0 : i32
    return %arg0, %c0_i32 : i32, i32
  }
  func.func @transform_15(%arg0: i32) -> (i32, i32) {
    %c0_i32 = arith.constant 0 : i32
    %c0_i32_0 = arith.constant 0 : i32
    %c0_i32_1 = arith.constant 0 : i32
    return %c0_i32, %c0_i32_0 : i32, i32
  }
}

</mosaic_0001>

<sc_bundles>
// kernel: kernel.6.cloned.1.call-start
scs
__scs_entry_jumppad:
0x0: {  	(pc) =	sbr.rel $0x88, $3  }
0x1: {  	(tag) =	ssettag $0x0;
	lr =	simm.s32 $0x1  }
0x2: {  	[smem:$0x3F91] =	sst lr;
	_ =	strace $0xD0000000  }
0x3: {  	_ = 	snop  }
0x4: {  	_ = 	snop  }
0x5: {  	_ = 	snop  }
0x6: {  	_ = 	snop  }
0x7: {  	_ = 	snop  }
__scs_overlays_trampoline_lowered:
0x8: {  	[smem:$0x3FA0] =	sst s0  }
0x9: {  	[smem:$0x3FA1] =	sst s1  }
0xa: {  	[smem:$0x3FA2] =	sst s2  }
0xb: {  	[smem:$0x3FA3] =	sst s3  }
0xc: {  	[smem:$0x3FA4] =	sst s4  }
0xd: {  	[smem:$0x3FA5] =	sst s5  }
0xe: {  	[smem:$0x3FA6] =	sst s6  }
0xf: {  	[smem:$0x3FA7] =	sst s7  }
0x10: {  	[smem:$0x3FA8] =	sst s8  }
0x11: {  	[smem:$0x3FA9] =	sst s9;
	s0 =	simm.s32 @!p0 $0x0  }
0x12: {  	s1 =	sld [smem:$0x3F8F];
	s0 =	simm.s32 @p0 $0x1  }
0x13: {  	[smem:$0x3FAA] =	sst s0;
	s0 =	simm.s32 @!p1 $0x0  }
0x14: {  	s2 =	sld [smem:$0x3F8E];
	s0 =	simm.s32 @p1 $0x1  }
0x15: {  	[smem:$0x3FAB] =	sst s0;
	s0 =	simm.s32 @!p2 $0x0  }
0x16: {  	s3 =	sld [smem:$0x3FDB];
	s0 =	simm.s32 @p2 $0x1  }
0x17: {  	s4 =	simm.s32 $0x1BF5;
	[smem:$0x3FAD] =	sst s0  }
0x18: {  	s0 =	sld [smem:$0x3F90];
	_ =	swait.ge [sflag:s4], $0x0  }
0x19: {  	s7 =	sld [smem:$0x3F91]  }
0x1a: {  	s8 =	sadd.s32 $0xFFFFE003, lr  }
0x1b: {  	s9 =	sadd.s32 $0xFFFFFEF7, lr;
	s5 =	simm.s32 $0xFFFFFFFF;
	p2 =	slt.u32 s8, $0xFFFFF086  }
0x1c: {  	p1 =	slt.u32 s9, $0xF7A;
	s5 =	simm.s32 @!p2 $0x0  }
0x1d: {  	s5 =	simm.s32 @p1 $0x1;
	p0 =	seq.s32 s7, s2  }
0x1e: {  	s7 =	smul.u32 @!p0 $0xF7A, s2;
	p2 =	seq.s32 @!p0 s5, $0x0  }
0x1f: {  	s9 =	smul.u32 $0xF7A, s1;
	s8 =	simm.s32 @!p0 $0x1BF5;
	p2 =	por !p2, p0  }
0x20: {  	[sflag:s8] =	ssyncset.s32 @!p0 $0xFFFFF086;
	s6 =	sadd.s32 @!p0 s3, s7;
	s7 =	simm.s32 @!p0 $0x108  }
0x21: {  	s3 =	sadd.s32 s3, s9;
	s6 =	sadd.s32 @!p0 $0x88, s6;
	s7 =	simm.s32 @p2 $0x1082  }
0x22: {  	[simem:s7], [sflag:s8] =	dma.local @!p0 [hbm:s6], $0xF7A  }
0x23: {  	s9 =	sor.u32 $0xD0000000, s2;
	s6 =	simm.s32 $0x108;
	_ =	swait.ge @!p0 [sflag:s8], $0x0  }
0x24: {  	s3 =	sadd.s32 $0x88, s3;
	s6 =	simm.s32 @!p1 $0x1082;
	[sflag:s4] =	ssyncset.s32 $0xFFFFF086  }
0x25: {  	[simem:s6], [sflag:s4] =	dma.local [hbm:s3], $0xF7A  }
0x26: {  	[smem:$0x3F91] =	sst s1;
	(tag) =	ssettag s2;
	_ =	strace s9  }
0x27: {  	s1 =	sld [smem:$0x3FA1]  }
0x28: {  	s2 =	sld [smem:$0x3FA2]  }
0x29: {  	s4 =	sld [smem:$0x3FA4]  }
0x2a: {  	p0 =	seq.s32 s5, $0x0;
	s5 =	sld [smem:$0x3FA5]  }
0x2b: {  	s6 =	sld [smem:$0x3FA6]  }
0x2c: {  	s7 =	sld [smem:$0x3FA7]  }
0x2d: {  	s3 =	simm.s32 $0x108;
	s8 =	sld [smem:$0x3FA8]  }
0x2e: {  	s3 =	simm.s32 @!p0 $0x1082;
	s9 =	sld [smem:$0x3FA9]  }
0x2f: {  	lr =	sadd.s32 s0, s3;
	s0 =	sld [smem:$0x3FA0]  }
0x30: {  	s3 =	sld [smem:$0x3FA3]  }
0x31: {  	[smem:$0x3FAC] =	sst s10  }
0x32: {  	s10 =	sld [smem:$0x3FAA];
	_ =	sdelay $0x3  }
0x33: {  	p0 =	seq.s32 s10, $0x1;
	s10 =	sld [smem:$0x3FAC];
	_ =	sdelay $0x3  }
0x34: {  	[smem:$0x3FAC] =	sst s10  }
0x35: {  	s10 =	sld [smem:$0x3FAB];
	_ =	sdelay $0x3  }
0x36: {  	p1 =	seq.s32 s10, $0x1;
	s10 =	sld [smem:$0x3FAC];
	_ =	sdelay $0x3  }
0x37: {  	[smem:$0x3FAC] =	sst s10  }
0x38: {  	s10 =	sld [smem:$0x3FAD]  }
0x39: {  	_ = 	snop;
	(pc) =	sbr.ind lr, $3  }
0x3a: {  	_ = 	snop  }
0x3b: {  	_ = 	snop  }
0x3c: {  	p2 =	seq.s32 s10, $0x1;
	s10 =	sld [smem:$0x3FAC]  }
0x3d: {  	_ =	shalt  }
0x3e: {  	_ =	shalt  }
0x3f: {  	_ =	shalt  }
0x40: {  	_ =	shalt  }
0x41: {  	_ =	shalt  }
0x42: {  	_ =	shalt  }
0x43: {  	_ =	shalt  }
0x44: {  	_ =	shalt  }
0x45: {  	_ =	shalt  }
0x46: {  	_ =	shalt  }
0x47: {  	_ =	shalt  }
0x48: {  	_ =	shalt  }
0x49: {  	_ =	shalt  }
0x4a: {  	_ =	shalt  }
0x4b: {  	_ =	shalt  }
0x4c: {  	_ =	shalt  }
0x4d: {  	_ =	shalt  }
0x4e: {  	_ =	shalt  }
0x4f: {  	_ =	shalt  }
0x50: {  	_ =	shalt  }
0x51: {  	_ =	shalt  }
0x52: {  	_ =	shalt  }
0x53: {  	_ =	shalt  }
0x54: {  	_ =	shalt  }
0x55: {  	_ =	shalt  }
0x56: {  	_ =	shalt  }
0x57: {  	_ =	shalt  }
0x58: {  	_ =	shalt  }
0x59: {  	_ =	shalt  }
0x5a: {  	_ =	shalt  }
0x5b: {  	_ =	shalt  }
0x5c: {  	_ =	shalt  }
0x5d: {  	_ =	shalt  }
0x5e: {  	_ =	shalt  }
0x5f: {  	_ =	shalt  }
0x60: {  	_ =	shalt  }
0x61: {  	_ =	shalt  }
0x62: {  	_ =	shalt  }
0x63: {  	_ =	shalt  }
0x64: {  	_ =	shalt  }
0x65: {  	_ =	shalt  }
0x66: {  	_ =	shalt  }
0x67: {  	_ =	shalt  }
0x68: {  	_ =	shalt  }
0x69: {  	_ =	shalt  }
0x6a: {  	_ =	shalt  }
0x6b: {  	_ =	shalt  }
0x6c: {  	_ =	shalt  }
0x6d: {  	_ =	shalt  }
0x6e: {  	_ =	shalt  }
0x6f: {  	_ =	shalt  }
0x70: {  	_ =	shalt  }
0x71: {  	_ =	shalt  }
0x72: {  	_ =	shalt  }
0x73: {  	_ =	shalt  }
0x74: {  	_ =	shalt  }
0x75: {  	_ =	shalt  }
0x76: {  	_ =	shalt  }
0x77: {  	_ =	shalt  }
0x78: {  	_ =	shalt  }
0x79: {  	_ =	shalt  }
0x7a: {  	_ =	shalt  }
0x7b: {  	_ =	shalt  }
0x7c: {  	_ =	shalt  }
0x7d: {  	_ =	shalt  }
0x7e: {  	_ =	shalt  }
0x7f: {  	_ =	shalt  }
0x80: {  	_ =	shalt  }
0x81: {  	_ =	shalt  }
0x82: {  	_ =	shalt  }
0x83: {  	_ =	shalt  }
0x84: {  	_ =	shalt  }
0x85: {  	_ =	shalt  }
0x86: {  	_ =	shalt  }
0x87: {  	_ =	shalt  }
.Lfunc_end0:
.L_simem_size_0:
called_computation_lowered:
.L_overlay_start_0:
0x88: {  	s2 =	sld [smem:$0x3FD9]  }
0x89: {  	s3 =	sld [smem:$0x3FFE];
	_ =	sdelay $0x1  }
0x8a: {  	s1 =	srdreg.scid  }
0x8b: {  	s0 =	sand.u32 $0x1, s1  }
0x8c: {  	s14 =	sshll.u32 s0, $0xA;
	s2 =	sadd.s32 s3, s2  }
0x8d: {  	s2 =	sadd.s32 s2, s14  }
0x8e: {  	[smem:$0x3FB8] =	sst s2  }
0x8f: {  	_ = 	snop  }
0x90: {  	s2 =	sld [smem:$0x3FD0];
	_ =	sdelay $0x2  }
0x91: {  	s15 =	simm.s32 $0xA;
	s4 =	simm.s32 $0x10  }
0x92: {  	[smem:s4], [sflag:s15] =	dma.local [hbm:s2], $0x1  }
0x93: {  	_ =	swait.eq [sflag:s15], $0x1  }
0x94: {  	[sflag:s15] =	ssyncset.done $0x0  }
0x95: {  	[sflag:s15] =	ssyncadd.s32 $0xFFFFFFFF  }
0x96: {  	s16 =	sld [smem:$0x11];
	(tm) =	ssettm $0x1  }
0x97: {  	s17 =	sld [smem:$0x3FFB];
	_ =	sdelay $0x3  }
0x98: {  	_ =	strace s17  }
0x99: {  	s3 =	sld [smem:$0x3FFC];
	_ =	sdelay $0x3  }
0x9a: {  	_ =	strace s3  }
0x9b: {  	s3 =	sld [smem:$0x3FFD];
	_ =	sdelay $0x3  }
0x9c: {  	_ =	strace s3  }
0x9d: {  	_ =	strace $0x8FFFFFFF  }
0x9e: {  	s18 =	sld [smem:$0x3FDB];
	_ =	sdelay $0x1  }
0x9f: {  	s19 =	simm.s32 $_scs_section_size  }
0xa0: {  	s5 =	simm.s32 $_size__tile_overlayer_lowered;
	s6 =	simm.s32 $_tile_overlayer_lowered  }
0xa1: {  	s22 =	simm.s32 $0x1BFF;
	s21 =	sshll.u32 s6, $0x1;
	s3 =	sadd.s32 s19, s18  }
0xa2: {  	s7 =	simm.s32 $0x0;
	s20 =	sshll.u32 s5, $0x1;
	s5 =	sadd.s32 s21, s3  }
0xa3: {  	[timem:s7], [sflag:s22] =	dma.local [hbm:s5], s20  }
0xa4: {  	_ =	swait.ge [sflag:s22], s20  }
0xa5: {  	s4 =	ssub.s32 $0x0, s20;
	[sflag:s22] =	ssyncset.done $0x0  }
0xa6: {  	[sflag:s22] =	ssyncadd.s32 s4;
	_ =	sdelay $0x1  }
0xa7: {  	s23 =	simm.s32 $0x1B8B  }
0xa8: {  	_ =	swait.ge [sflag:s23], $0x1  }
0xa9: {  	[sflag:s23] =	ssyncset.done $0x0  }
0xaa: {  	s25 =	simm.s32 $0x1B8E;
	s24 =	sld [smem:$0x3FFE];
	[sflag:s23] =	ssyncadd.s32 $0xFFFFFFFF  }
0xab: {  	s26 =	simm.s32 $execute0_lowered;
	[smem:$0x3FD2] =	sst s25  }
0xac: {  	s5 =	sshll.u32 s26, $0x1;
	_ =	strace $0x80000046;
	[dreg:$0x1] =	wrdreg $0xFFFFFFFF  }
0xad: {  	s28 =	simm.s32 $_size_execute0_lowered;
	s3 =	sadd.s32 s3, s5;
	[dreg:$0x0] =	wrdreg $0x0  }
0xae: {  	s5 =	sshll.u32 s28, $0x1;
	[dreg:$0x2] =	wrdreg s3  }
0xaf: {  	[dreg:$0x3] =	wrdreg s5  }
0xb0: {  	[dreg:$0x4] =	wrdreg $0xC0  }
0xb1: {  	_ =	task [dreg:s7], $0x5FFFF  }
0xb2: {  	[dreg:$0x1] =	wrdreg $0xFFFFFFFF  }
0xb3: {  	[dreg:$0x0] =	wrdreg $0x60  }
0xb4: {  	[dreg:$0x2] =	wrdreg s24  }
0xb5: {  	[dreg:$0x3] =	wrdreg s16  }
0xb6: {  	[dreg:$0x4] =	wrdreg $0x0  }
0xb7: {  	[dreg:$0x5] =	wrdreg $0x9  }
0xb8: {  	_ =	task.clear_ibuf [dreg:s7], $0x6FFFF;
	_ =	strace $0x90000046  }
0xb9: {  	s29 =	simm.s32 $0x9;
	_ =	strace $0x80000048  }
0xba: {  	_ =	swait.ge [sflag:s29], $0x1  }
0xbb: {  	[sflag:s29] =	ssyncadd.s32 $0xFFFFFFFF  }
0xbc: {  	_ =	strace $0x90000048  }
0xbd: {  	_ =	sfence  }
0xbe: {  	s30 =	sld [smem:$0x0];
	_ =	sdelay $0x2  }
0xbf: {  	s31 =	sshll.u32 s1, $0xD;
	s1 =	sshrl.u32 s1, $0x2  }
0xc0: {  	s3 =	sand.u32 $0x4000, s31;
	s1 =	sadd.s32 s1, s30  }
0xc1: {  	s0 =	sor.u32 s3, s0;
	s1 =	sshll.u32 s1, $0x11  }
0xc2: {  	s0 =	sor.u32 s1, s0  }
0xc3: {  	s0 =	sadd.s32 $0x8F2B, s0  }
0xc4: {  	[sflag:s0] =	ssyncadd.remote.s32 $0x1  }
0xc5: {  	_ =	sfence.sel $0xFFFF  }
0xc6: {  	[dreg:$0x0] =	wrdreg $0xFFFFFFFF;
	(pc) =	sbr.abs _section_cstart, $3  }
0xc7: {  	[dreg:$0x1] =	wrdreg $0xFFFFFFFF  }
0xc8: {  	_ =	task.clear_ibuf [dreg:s7], $0x2FFFF;
	_ =	strace $0x9FFFFFFF  }
0xc9: {  	(tm) =	ssettm $0x7FFFFFFF  }
tec
execute0_lowered:
.L_overlay_start_1:
0x0: {  	(tag) =	ssettag $0x1  }
0x1: {  	s8 =	rddreg [dreg:$0x0]  }
0x2: {  	s11 =	rddreg [dreg:$0x1]  }
0x3: {  	s2 =	rddreg [dreg:$0x2];
	s3 =	simm.s32 $0x0;
	s0 =	stileid.u32  }
0x4: {  	s7 =	srdreg.scid;
	s17 =	simm.s32 $0x1A380;
	s20 =	simm.s32 $0x50  }
0x5: {  	s21 =	simm.s32 $0x2;
	s22 =	simm.s32 $0x1CB80;
	s23 =	simm.s32 $0x3  }
0x6: {  	s24 =	simm.s32 $0x4;
	s25 =	simm.s32 $0x1;
	s26 =	simm.s32 $0x0  }
0x7: {  	[smem:$0x7FF] =	sst s3;
	s4 =	sshrl.u32 s0, $0x3;
	s29 =	smul.u32 $0x278, s0  }
0x8: {  	s6 =	sshll.u32 s0, $0x7;
	s9 =	sshll.u32 s0, $0xB;
	s14 =	smul.u32 $0x4F000, s0  }
0x9: {  	s18 =	sshll.u32 s0, $0x6;
	_ =	strace $0x80000047;
	s5 =	smul.u32 $0x13C00, s4  }
0xa: {  	s4 =	sadd.s32 $0x11000, s8;
	s6 =	sand.u32 $0x380, s6;
	s9 =	sadd.s32 s9, s8  }
0xb: {  	s18 =	sor.u32 $0x1C05, s18;
	s31 =	sshrl.u32 s14, $0x2;
	s9 =	sadd.s32 $0x4000, s9  }
0xc: {  	s14 =	simm.s32 $0x400;
	s6 =	sor.u32 s6, s5;
	s5 =	sand.u32 $0x1, s7  }
0xd: {  	s7 =	sadd.s32 $0x61A00, s8;
	s19 =	sadd.s32 s31, s2;
	s10 =	smul.u32 $0x2780, s5  }
0xe: {  	s6 =	sshrl.u32 s6, $0x3;
	s13 =	ssub.s32 $0x2, s5;
	s19 =	sshrl.u32 s19, $0x3  }
.Ltmp0:
0xf: {  	s12 =	sadd.s32 s6, s8;
	s10 =	sadd.s32 s29, s10;
	(pc) =	sbr.rel .LBB2_1-.Ltmp0, $4  }
0x10: {  	s6 =	sadd.s32 $0x5F200, s8;
	s30 =	sshrl.u32 s13, $0x1;
	s15 =	sshll.u32 s10, $0x4  }
0x11: {  	s13 =	ssub.s32 s13, s30;
	s16 =	sadd.s32 s15, s8;
	s8 =	sadd.s32 $0xC000, s12  }
0x12: {  	s11 =	sadd.s32 s11, s15;
	s12 =	smax.u32 s13, $0x1;
	s13 =	simm.s32 $0x80  }
0x13: {  	v0 =	vmov s5;
	s15 =	simm.s32 $0x13C00;
	s10 =	sadd.s32 $0x62000, s16;
	s16 =	simm.s32 $0x5  }
.LBB2_13:
0x14: {  	_ =	swait.ge [sflag:s23], $0x2800  }
0x15: {  	[sflag:s23] =	ssyncset.done $0x0  }
0x16: {  	[sflag:s23] =	ssyncadd.s32 $0xFFFFD800  }
0x17: {  	_ =	swait.ge [sflag:s24], $0x2800  }
0x18: {  	[sflag:s24] =	ssyncset.done $0x0  }
0x19: {  	s26 =	sadd.s32 $0x1, s26;
	[sflag:s24] =	ssyncadd.s32 $0xFFFFD800  }
0x1a: {  	p0 =	sne.s32 s26, s12;
	[bflag:$0x0] =	sbarrier.arrive $0xFFFF  }
0x1b: {  	[hbm:s11], [sflag:s18] =	dma.local [spmem:s19], $0x2780  }
.Ltmp1:
0x1c: {  	_ =	swait.ge [sflag:s16], $0x2780;
	(pc) =	sbr.rel @!p0 .LBB2_14-.Ltmp1, $3  }
0x1d: {  	[sflag:s16] =	ssyncset.done $0x0  }
0x1e: {  	[sflag:s16] =	ssyncadd.s32 $0xFFFFD880  }
0x1f: {  	[bflag:$0x0] =	sbarrier.arrive $0xFFFF;
	_ =	sdelay $0x1  }
.LBB2_1:
0x20: {  	[tilespmem:s15], [sflag:$0x5] =	stream.strided.gather [hbm4b:s8+s13], $0x2780, s14, s13, $0x38;
	[tilespmem:$0x1F380] =	vst v63  }
0x21: {  	_ =	swait.ge [sflag:s16], $0x2780  }
0x22: {  	[sflag:s16] =	ssyncset.done $0x0  }
0x23: {  	s28 =	simm.s32 $0x16380;
	[sflag:s16] =	ssyncadd.s32 $0xFFFFD880  }
0x24: {  	[tilespmem:s28], [sflag:$0x5] =	stream.linear.gather [hbm4b:s9+s3], $0x3E80, $0x38;
	[tilespmem:$0x1F380] =	vst v63  }
0x25: {  	_ =	swait.ge [sflag:s16], $0x3E80  }
0x26: {  	[sflag:s16] =	ssyncset.done $0x0  }
0x27: {  	[sflag:s16] =	ssyncadd.s32 $0xFFFFC180  }
0x28: {  	[tilespmem:s17], [sflag:$0x5] =	stream.linear.gather [hbm4b:s7+s3], $0x2800, $0x38;
	[tilespmem:$0x1F380] =	vst v63  }
0x29: {  	_ =	swait.ge [sflag:s16], $0x2800  }
0x2a: {  	[sflag:s16] =	ssyncset.done $0x0  }
0x2b: {  	[sflag:s16] =	ssyncadd.s32 $0xFFFFD800  }
0x2c: {  	[spmem:s19], [sflag:s18] =	dma.local [hbm:s6], $0x2780  }
0x2d: {  	s29 =	sand.u32 $0x1, s3;
	_ =	swait.ge [sflag:s16], $0x2780  }
0x2e: {  	p0 =	sne.s32 s29, s5;
	[sflag:s16] =	ssyncset.done $0x0  }
0x2f: {  	s29 =	simm.s32 @!p0 $0x50;
	[sflag:s16] =	ssyncadd.s32 $0xFFFFD880  }
0x30: {  	s30 =	simm.s32 @!p0 $0x1A380;
	s31 =	simm.s32 @!p0 $0x5;
	[bflag:$0x0] =	sbarrier.arrive $0xFFFF  }
0x31: {  	[spmem:s2] =	stream.indirect.scatter.add.f32 @!p0 [tilespmem:s30], [sflag:$0x5], $0x80, s28, s29, $0xb8;
	[tilespmem:$0x1F380] =	vst v63  }
0x32: {  	s29 =	simm.s32 $0x1;
	_ =	swait.ge @!p0 [sflag:s31], $0x2800  }
0x33: {  	s30 =	simm.s32 $0x2;
	s28 =	simm.s32 $0x16400;
	[sflag:s31] =	ssyncset.done @!p0 $0x0  }
.LBB2_2:
0x34: {  	s0 =	sand.u32 $0x1, s29;
	s29 =	smov.u32 s30;
	s30 =	sadd.s32 $0x1, s30  }
0x35: {  	[sflag:s31] =	ssyncadd.s32 @!p0 $0xFFFFD800;
	p1 =	sne.s32 s30, $0x7D  }
.Ltmp2:
0x36: {  	p0 =	sne.s32 s0, s5;
	(pc) =	sbr.rel @p1 .LBB2_2-.Ltmp2, $4  }
0x37: {  	s0 =	simm.s32 @!p0 $0x50;
	s1 =	simm.s32 @!p0 $0x1A380;
	s31 =	simm.s32 @!p0 $0x5  }
0x38: {  	[spmem:s2] =	stream.indirect.scatter.add.f32 @!p0 [tilespmem:s1], [sflag:$0x5], $0x80, s28, s0, $0xb8;
	[tilespmem:$0x1F380] =	vst v63  }
0x39: {  	_ =	swait.ge @!p0 [sflag:s31], $0x2800  }
0x3a: {  	s28 =	sadd.s32 $0x80, s28;
	[sflag:s31] =	ssyncset.done @!p0 $0x0  }
0x3b: {  	s0 =	sand.u32 $0x1, s29  }
0x3c: {  	[sflag:s31] =	ssyncadd.s32 @!p0 $0xFFFFD800;
	p0 =	sne.s32 s0, s5  }
0x3d: {  	s0 =	simm.s32 @!p0 $0x50;
	s1 =	simm.s32 @!p0 $0x1A380;
	s29 =	simm.s32 @!p0 $0x5  }
0x3e: {  	[spmem:s2] =	stream.indirect.scatter.add.f32 @!p0 [tilespmem:s1], [sflag:$0x5], $0x80, s28, s0, $0xb8;
	[tilespmem:$0x1F380] =	vst v63  }
0x3f: {  	_ =	swait.ge @!p0 [sflag:s29], $0x2800  }
0x40: {  	[sflag:s29] =	ssyncset.done @!p0 $0x0  }
0x41: {  	[sflag:s29] =	ssyncadd.s32 @!p0 $0xFFFFD800  }
0x42: {  	[bflag:$0x0] =	sbarrier.arrive $0xFFFF  }
0x43: {  	[hbm:s10], [sflag:s18] =	dma.local [spmem:s19], $0x2780  }
0x44: {  	_ =	swait.ge [sflag:s16], $0x2780  }
0x45: {  	[sflag:s16] =	ssyncset.done $0x0  }
0x46: {  	[sflag:s16] =	ssyncadd.s32 $0xFFFFD880  }
0x47: {  	s28 =	simm.s32 $0x0;
	s29 =	simm.s32 $0x40;
	[bflag:$0x0] =	sbarrier.arrive $0xFFFF  }
.LBB2_4:
0x48: {  	p0 =	sne.s32 s29, $0x9C00;
	v1 =	vld [tilespmem:s28+$0x13C00];
	_ =	sdelay $0x2  }
.Ltmp3:
0x49: {  	(pc) =	sbr.rel @p0 .LBB2_4-.Ltmp3, $4  }
0x4a: {  	_ = 	snop  }
0x4b: {  	v1 =	vshll.u32 v1, $0x1  }
0x4c: {  	v1 =	vor.u32 v0, v1  }
0x4d: {  	[tilespmem:s28+$0x13C00] =	vst v1;
	s28 =	sshra.s32 s29, $0x2;
	s29 =	sadd.s32 $0x40, s29  }
0x4e: {  	v1 =	vld [tilespmem:s28+$0x13C00];
	_ =	sdelay $0x4  }
0x4f: {  	v1 =	vshll.u32 v1, $0x1  }
0x50: {  	v1 =	vor.u32 v0, v1  }
0x51: {  	[tilespmem:s28+$0x13C00] =	vst v1  }
0x52: {  	[spmem:s19], [sflag:s18] =	dma.local [hbm:s6], $0x2780  }
.Ltmp4:
0x53: {  	_ =	swait.ge [sflag:s16], $0x2780;
	(pc) =	sbr.rel .LBB2_6-.Ltmp4, $4  }
0x54: {  	[sflag:s16] =	ssyncset.done $0x0  }
0x55: {  	s29 =	simm.s32 $0x16380;
	[sflag:s16] =	ssyncadd.s32 $0xFFFFD880  }
0x56: {  	s30 =	simm.s32 $0x13C50;
	s28 =	simm.s32 $0x0;
	[bflag:$0x0] =	sbarrier.arrive $0xFFFF  }
0x57: {  	[tilespmem:s17], [sflag:$0x1] =	stream.indirect.gather [hbm4b:s4+s20], $0x80, s15, s20, $0xb8;
	[tilespmem:$0x1F380] =	vst v63  }
.LBB2_11:
0x58: {  	_ =	swait.ge [sflag:s21], $0x2800  }
0x59: {  	[sflag:s21] =	ssyncset.done $0x0  }
0x5a: {  	[sflag:s21] =	ssyncadd.s32 $0xFFFFD800  }
0x5b: {  	[spmem:s2] =	stream.indirect.scatter.add.f32 [tilespmem:s22], [sflag:$0x4], $0x80, s29, s20, $0xb8;
	[tilespmem:$0x1F380] =	vst v63  }
0x5c: {  	_ =	swait.ge [sflag:s23], $0x2800  }
0x5d: {  	[sflag:s23] =	ssyncset.done $0x0  }
0x5e: {  	[sflag:s23] =	ssyncadd.s32 $0xFFFFD800  }
0x5f: {  	[tilespmem:s17], [sflag:$0x1] =	stream.indirect.gather [hbm4b:s4+s20], $0x80, s30, s20, $0xb8;
	[tilespmem:$0x1F380] =	vst v63  }
.LBB2_12:
0x60: {  	s28 =	sadd.s32 $0x1, s28  }
0x61: {  	p0 =	sne.s32 s28, $0x7D  }
.Ltmp5:
0x62: {  	_ = 	snop;
	(pc) =	sbr.rel @!p0 .LBB2_13-.Ltmp5, $2  }
0x63: {  	_ =	sdelay $0x2  }
0x64: {  	s29 =	sadd.s32 $0x80, s29;
	s30 =	sadd.s32 $0x50, s30  }
.LBB2_6:
0x65: {  	s0 =	sand.u32 $0x1, s28  }
0x66: {  	p0 =	seq.s32 s0, $0x1  }
.Ltmp6:
0x67: {  	_ = 	snop;
	(pc) =	sbr.rel @p0 .LBB2_11-.Ltmp6, $1  }
0x68: {  	_ =	sdelay $0x3  }
0x69: {  	p0 =	seq.s32 s28, $0x0  }
.Ltmp7:
0x6a: {  	_ = 	snop;
	(pc) =	sbr.rel @p0 .LBB2_10-.Ltmp7, $4  }
0x6b: {  	_ =	swait.ge [sflag:s25], $0x2800  }
0x6c: {  	[sflag:s25] =	ssyncset.done $0x0  }
0x6d: {  	[sflag:s25] =	ssyncadd.s32 $0xFFFFD800  }
0x6e: {  	[spmem:s2] =	stream.indirect.scatter.add.f32 [tilespmem:s17], [sflag:$0x3], $0x80, s29, s20, $0xb8;
	[tilespmem:$0x1F380] =	vst v63  }
0x6f: {  	p0 =	seq.s32 s28, $0x7C  }
.Ltmp8:
0x70: {  	_ = 	snop;
	(pc) =	sbr.rel @p0 .LBB2_13-.Ltmp8, $1  }
0x71: {  	_ =	sdelay $0x3  }
0x72: {  	_ =	swait.ge [sflag:s24], $0x2800  }
0x73: {  	[sflag:s24] =	ssyncset.done $0x0  }
0x74: {  	[sflag:s24] =	ssyncadd.s32 $0xFFFFD800  }
.LBB2_10:
.Ltmp9:
0x75: {  	(pc) =	sbr.rel .LBB2_12-.Ltmp9, $2  }
0x76: {  	_ =	sdelay $0x2  }
0x77: {  	[tilespmem:s22], [sflag:$0x2] =	stream.indirect.gather [hbm4b:s4+s20], $0x80, s30, s20, $0xb8;
	[tilespmem:$0x1F380] =	vst v63  }
.LBB2_14:
0x78: {  	_ =	sfence.sel $0x180000  }
0x79: {  	[bflag:$0x0] =	sbarrier.arrive $0xFFFF  }
0x7a: {  	_ =	strace $0x90000047  }
0x7b: {  	s0 =	stileid.u32;
	[bflag:$0x2] =	sbarrier.arrive $0xFFFF  }
0x7c: {  	p0 =	sne.s32 s0, $0x0;
	s0 =	rddreg [dreg:$0x3]  }
0x7d: {  	s0 =	sadd.s32 @!p0 $0x100000, s0  }
0x7e: {  	[sflag:s0] =	ssyncadd.tile.s32 @!p0 $0x1;
	_ =	shalt  }
.Lfunc_end2:
_tile_overlayer_lowered:
.L_overlay_start_2:
0x7f: {  	(tag) =	ssettag $0x2  }
0x80: {  	s0 =	rddreg [dreg:$0x0];
	s2 =	stileid.u32  }
0x81: {  	s1 =	rddreg [dreg:$0x1];
	p0 =	sne.s32 s2, $0x0  }
0x82: {  	s3 =	rddreg [dreg:$0x2];
	[bflag:$0x3] =	sbarrier.arrive $0xFFFF;
	s2 =	simm.s32 @!p0 $0x1C05  }
0x83: {  	[timem:s3], [sflag:s2] =	dma.local @!p0 [hbm:s0], s1  }
0x84: {  	s0 =	simm.s32 @!p0 $0x5  }
0x85: {  	_ =	swait.ge @!p0 [sflag:s0], s1  }
0x86: {  	s1 =	ssub.s32 @!p0 $0x0, s1;
	[sflag:s0] =	ssyncset.done @!p0 $0x0  }
0x87: {  	[sflag:s0] =	ssyncadd.s32 @!p0 s1  }
0x88: {  	[bflag:$0x3] =	sbarrier.arrive $0xFFFF  }
0x89: {  	_ =	shalt  }

// kernel: kernel.9.cloned.1.call-start
scs
__scs_entry_jumppad:
0x0: {  	(pc) =	sbr.rel $0x88, $3  }
0x1: {  	(tag) =	ssettag $0x0;
	lr =	simm.s32 $0x1  }
0x2: {  	[smem:$0x3F91] =	sst lr;
	_ =	strace $0xD0000000  }
0x3: {  	_ = 	snop  }
0x4: {  	_ = 	snop  }
0x5: {  	_ = 	snop  }
0x6: {  	_ = 	snop  }
0x7: {  	_ = 	snop  }
__scs_overlays_trampoline_lowered:
0x8: {  	[smem:$0x3FA0] =	sst s0  }
0x9: {  	[smem:$0x3FA1] =	sst s1  }
0xa: {  	[smem:$0x3FA2] =	sst s2  }
0xb: {  	[smem:$0x3FA3] =	sst s3  }
0xc: {  	[smem:$0x3FA4] =	sst s4  }
0xd: {  	[smem:$0x3FA5] =	sst s5  }
0xe: {  	[smem:$0x3FA6] =	sst s6  }
0xf: {  	[smem:$0x3FA7] =	sst s7  }
0x10: {  	[smem:$0x3FA8] =	sst s8  }
0x11: {  	[smem:$0x3FA9] =	sst s9;
	s0 =	simm.s32 @!p0 $0x0  }
0x12: {  	s1 =	sld [smem:$0x3F8F];
	s0 =	simm.s32 @p0 $0x1  }
0x13: {  	[smem:$0x3FAA] =	sst s0;
	s0 =	simm.s32 @!p1 $0x0  }
0x14: {  	s2 =	sld [smem:$0x3F8E];
	s0 =	simm.s32 @p1 $0x1  }
0x15: {  	[smem:$0x3FAB] =	sst s0;
	s0 =	simm.s32 @!p2 $0x0  }
0x16: {  	s3 =	sld [smem:$0x3FDB];
	s0 =	simm.s32 @p2 $0x1  }
0x17: {  	s4 =	simm.s32 $0x1BF5;
	[smem:$0x3FAD] =	sst s0  }
0x18: {  	s0 =	sld [smem:$0x3F90];
	_ =	swait.ge [sflag:s4], $0x0  }
0x19: {  	s7 =	sld [smem:$0x3F91]  }
0x1a: {  	s8 =	sadd.s32 $0xFFFFE003, lr  }
0x1b: {  	s9 =	sadd.s32 $0xFFFFFEF7, lr;
	s5 =	simm.s32 $0xFFFFFFFF;
	p2 =	slt.u32 s8, $0xFFFFF086  }
0x1c: {  	p1 =	slt.u32 s9, $0xF7A;
	s5 =	simm.s32 @!p2 $0x0  }
0x1d: {  	s5 =	simm.s32 @p1 $0x1;
	p0 =	seq.s32 s7, s2  }
0x1e: {  	s7 =	smul.u32 @!p0 $0xF7A, s2;
	p2 =	seq.s32 @!p0 s5, $0x0  }
0x1f: {  	s9 =	smul.u32 $0xF7A, s1;
	s8 =	simm.s32 @!p0 $0x1BF5;
	p2 =	por !p2, p0  }
0x20: {  	[sflag:s8] =	ssyncset.s32 @!p0 $0xFFFFF086;
	s6 =	sadd.s32 @!p0 s3, s7;
	s7 =	simm.s32 @!p0 $0x108  }
0x21: {  	s3 =	sadd.s32 s3, s9;
	s6 =	sadd.s32 @!p0 $0x88, s6;
	s7 =	simm.s32 @p2 $0x1082  }
0x22: {  	[simem:s7], [sflag:s8] =	dma.local @!p0 [hbm:s6], $0xF7A  }
0x23: {  	s9 =	sor.u32 $0xD0000000, s2;
	s6 =	simm.s32 $0x108;
	_ =	swait.ge @!p0 [sflag:s8], $0x0  }
0x24: {  	s3 =	sadd.s32 $0x88, s3;
	s6 =	simm.s32 @!p1 $0x1082;
	[sflag:s4] =	ssyncset.s32 $0xFFFFF086  }
0x25: {  	[simem:s6], [sflag:s4] =	dma.local [hbm:s3], $0xF7A  }
0x26: {  	[smem:$0x3F91] =	sst s1;
	(tag) =	ssettag s2;
	_ =	strace s9  }
0x27: {  	s1 =	sld [smem:$0x3FA1]  }
0x28: {  	s2 =	sld [smem:$0x3FA2]  }
0x29: {  	s4 =	sld [smem:$0x3FA4]  }
0x2a: {  	p0 =	seq.s32 s5, $0x0;
	s5 =	sld [smem:$0x3FA5]  }
0x2b: {  	s6 =	sld [smem:$0x3FA6]  }
0x2c: {  	s7 =	sld [smem:$0x3FA7]  }
0x2d: {  	s3 =	simm.s32 $0x108;
	s8 =	sld [smem:$0x3FA8]  }
0x2e: {  	s3 =	simm.s32 @!p0 $0x1082;
	s9 =	sld [smem:$0x3FA9]  }
0x2f: {  	lr =	sadd.s32 s0, s3;
	s0 =	sld [smem:$0x3FA0]  }
0x30: {  	s3 =	sld [smem:$0x3FA3]  }
0x31: {  	[smem:$0x3FAC] =	sst s10  }
0x32: {  	s10 =	sld [smem:$0x3FAA];
	_ =	sdelay $0x3  }
0x33: {  	p0 =	seq.s32 s10, $0x1;
	s10 =	sld [smem:$0x3FAC];
	_ =	sdelay $0x3  }
0x34: {  	[smem:$0x3FAC] =	sst s10  }
0x35: {  	s10 =	sld [smem:$0x3FAB];
	_ =	sdelay $0x3  }
0x36: {  	p1 =	seq.s32 s10, $0x1;
	s10 =	sld [smem:$0x3FAC];
	_ =	sdelay $0x3  }
0x37: {  	[smem:$0x3FAC] =	sst s10  }
0x38: {  	s10 =	sld [smem:$0x3FAD]  }
0x39: {  	_ = 	snop;
	(pc) =	sbr.ind lr, $3  }
0x3a: {  	_ = 	snop  }
0x3b: {  	_ = 	snop  }
0x3c: {  	p2 =	seq.s32 s10, $0x1;
	s10 =	sld [smem:$0x3FAC]  }
0x3d: {  	_ =	shalt  }
0x3e: {  	_ =	shalt  }
0x3f: {  	_ =	shalt  }
0x40: {  	_ =	shalt  }
0x41: {  	_ =	shalt  }
0x42: {  	_ =	shalt  }
0x43: {  	_ =	shalt  }
0x44: {  	_ =	shalt  }
0x45: {  	_ =	shalt  }
0x46: {  	_ =	shalt  }
0x47: {  	_ =	shalt  }
0x48: {  	_ =	shalt  }
0x49: {  	_ =	shalt  }
0x4a: {  	_ =	shalt  }
0x4b: {  	_ =	shalt  }
0x4c: {  	_ =	shalt  }
0x4d: {  	_ =	shalt  }
0x4e: {  	_ =	shalt  }
0x4f: {  	_ =	shalt  }
0x50: {  	_ =	shalt  }
0x51: {  	_ =	shalt  }
0x52: {  	_ =	shalt  }
0x53: {  	_ =	shalt  }
0x54: {  	_ =	shalt  }
0x55: {  	_ =	shalt  }
0x56: {  	_ =	shalt  }
0x57: {  	_ =	shalt  }
0x58: {  	_ =	shalt  }
0x59: {  	_ =	shalt  }
0x5a: {  	_ =	shalt  }
0x5b: {  	_ =	shalt  }
0x5c: {  	_ =	shalt  }
0x5d: {  	_ =	shalt  }
0x5e: {  	_ =	shalt  }
0x5f: {  	_ =	shalt  }
0x60: {  	_ =	shalt  }
0x61: {  	_ =	shalt  }
0x62: {  	_ =	shalt  }
0x63: {  	_ =	shalt  }
0x64: {  	_ =	shalt  }
0x65: {  	_ =	shalt  }
0x66: {  	_ =	shalt  }
0x67: {  	_ =	shalt  }
0x68: {  	_ =	shalt  }
0x69: {  	_ =	shalt  }
0x6a: {  	_ =	shalt  }
0x6b: {  	_ =	shalt  }
0x6c: {  	_ =	shalt  }
0x6d: {  	_ =	shalt  }
0x6e: {  	_ =	shalt  }
0x6f: {  	_ =	shalt  }
0x70: {  	_ =	shalt  }
0x71: {  	_ =	shalt  }
0x72: {  	_ =	shalt  }
0x73: {  	_ =	shalt  }
0x74: {  	_ =	shalt  }
0x75: {  	_ =	shalt  }
0x76: {  	_ =	shalt  }
0x77: {  	_ =	shalt  }
0x78: {  	_ =	shalt  }
0x79: {  	_ =	shalt  }
0x7a: {  	_ =	shalt  }
0x7b: {  	_ =	shalt  }
0x7c: {  	_ =	shalt  }
0x7d: {  	_ =	shalt  }
0x7e: {  	_ =	shalt  }
0x7f: {  	_ =	shalt  }
0x80: {  	_ =	shalt  }
0x81: {  	_ =	shalt  }
0x82: {  	_ =	shalt  }
0x83: {  	_ =	shalt  }
0x84: {  	_ =	shalt  }
0x85: {  	_ =	shalt  }
0x86: {  	_ =	shalt  }
0x87: {  	_ =	shalt  }
.Lfunc_end0:
.L_simem_size_0:
called_computation.1_lowered:
.L_overlay_start_0:
0x88: {  	s2 =	sld [smem:$0x3FD9]  }
0x89: {  	s3 =	sld [smem:$0x3FFE];
	_ =	sdelay $0x1  }
0x8a: {  	s1 =	srdreg.scid  }
0x8b: {  	s0 =	sand.u32 $0x1, s1  }
0x8c: {  	s14 =	sshll.u32 s0, $0xA;
	s2 =	sadd.s32 s3, s2  }
0x8d: {  	s2 =	sadd.s32 s2, s14  }
0x8e: {  	[smem:$0x3FB8] =	sst s2  }
0x8f: {  	_ = 	snop  }
0x90: {  	s2 =	sld [smem:$0x3FD0];
	_ =	sdelay $0x2  }
0x91: {  	s15 =	simm.s32 $0xA;
	s4 =	simm.s32 $0x10  }
0x92: {  	[smem:s4], [sflag:s15] =	dma.local [hbm:s2], $0x1  }
0x93: {  	_ =	swait.eq [sflag:s15], $0x1  }
0x94: {  	[sflag:s15] =	ssyncset.done $0x0  }
0x95: {  	[sflag:s15] =	ssyncadd.s32 $0xFFFFFFFF  }
0x96: {  	s16 =	sld [smem:$0x11];
	(tm) =	ssettm $0x1  }
0x97: {  	s17 =	sld [smem:$0x3FFB];
	_ =	sdelay $0x3  }
0x98: {  	_ =	strace s17  }
0x99: {  	s3 =	sld [smem:$0x3FFC];
	_ =	sdelay $0x3  }
0x9a: {  	_ =	strace s3  }
0x9b: {  	s3 =	sld [smem:$0x3FFD];
	_ =	sdelay $0x3  }
0x9c: {  	_ =	strace s3  }
0x9d: {  	_ =	strace $0x8FFFFFFF  }
0x9e: {  	s18 =	sld [smem:$0x3FDB];
	_ =	sdelay $0x1  }
0x9f: {  	s19 =	simm.s32 $_scs_section_size  }
0xa0: {  	s5 =	simm.s32 $_size__tile_overlayer_lowered;
	s6 =	simm.s32 $_tile_overlayer_lowered  }
0xa1: {  	s22 =	simm.s32 $0x1BFF;
	s21 =	sshll.u32 s6, $0x1;
	s3 =	sadd.s32 s19, s18  }
0xa2: {  	s7 =	simm.s32 $0x0;
	s20 =	sshll.u32 s5, $0x1;
	s5 =	sadd.s32 s21, s3  }
0xa3: {  	[timem:s7], [sflag:s22] =	dma.local [hbm:s5], s20  }
0xa4: {  	_ =	swait.ge [sflag:s22], s20  }
0xa5: {  	s4 =	ssub.s32 $0x0, s20;
	[sflag:s22] =	ssyncset.done $0x0  }
0xa6: {  	[sflag:s22] =	ssyncadd.s32 s4;
	_ =	sdelay $0x1  }
0xa7: {  	s23 =	simm.s32 $0x1B8B  }
0xa8: {  	_ =	swait.ge [sflag:s23], $0x1  }
0xa9: {  	[sflag:s23] =	ssyncset.done $0x0  }
0xaa: {  	s25 =	simm.s32 $0x1B8E;
	s24 =	sld [smem:$0x3FFE];
	[sflag:s23] =	ssyncadd.s32 $0xFFFFFFFF  }
0xab: {  	s26 =	simm.s32 $execute0_lowered;
	[smem:$0x3FD2] =	sst s25  }
0xac: {  	s5 =	sshll.u32 s26, $0x1;
	_ =	strace $0x80000049;
	[dreg:$0x1] =	wrdreg $0xFFFFFFFF  }
0xad: {  	s28 =	simm.s32 $_size_execute0_lowered;
	s3 =	sadd.s32 s3, s5;
	[dreg:$0x0] =	wrdreg $0x0  }
0xae: {  	s5 =	sshll.u32 s28, $0x1;
	[dreg:$0x2] =	wrdreg s3  }
0xaf: {  	[dreg:$0x3] =	wrdreg s5  }
0xb0: {  	[dreg:$0x4] =	wrdreg $0xC0  }
0xb1: {  	_ =	task [dreg:s7], $0x5FFFF  }
0xb2: {  	[dreg:$0x1] =	wrdreg $0xFFFFFFFF  }
0xb3: {  	[dreg:$0x0] =	wrdreg $0x60  }
0xb4: {  	[dreg:$0x2] =	wrdreg s16  }
0xb5: {  	[dreg:$0x3] =	wrdreg s24  }
0xb6: {  	[dreg:$0x4] =	wrdreg $0x0  }
0xb7: {  	[dreg:$0x5] =	wrdreg $0x9  }
0xb8: {  	_ =	task.clear_ibuf [dreg:s7], $0x6FFFF;
	_ =	strace $0x90000049  }
0xb9: {  	s29 =	simm.s32 $0x9;
	_ =	strace $0x8000004B  }
0xba: {  	_ =	swait.ge [sflag:s29], $0x1  }
0xbb: {  	[sflag:s29] =	ssyncadd.s32 $0xFFFFFFFF  }
0xbc: {  	_ =	strace $0x9000004B  }
0xbd: {  	_ =	sfence  }
0xbe: {  	s30 =	sld [smem:$0x0];
	_ =	sdelay $0x2  }
0xbf: {  	s31 =	sshll.u32 s1, $0xD;
	s1 =	sshrl.u32 s1, $0x2  }
0xc0: {  	s3 =	sand.u32 $0x4000, s31;
	s1 =	sadd.s32 s1, s30  }
0xc1: {  	s0 =	sor.u32 s3, s0;
	s1 =	sshll.u32 s1, $0x11  }
0xc2: {  	s0 =	sor.u32 s1, s0  }
0xc3: {  	s0 =	sadd.s32 $0x8F2B, s0  }
0xc4: {  	[sflag:s0] =	ssyncadd.remote.s32 $0x1  }
0xc5: {  	_ =	sfence.sel $0xFFFF  }
0xc6: {  	[dreg:$0x0] =	wrdreg $0xFFFFFFFF;
	(pc) =	sbr.abs _section_cstart, $3  }
0xc7: {  	[dreg:$0x1] =	wrdreg $0xFFFFFFFF  }
0xc8: {  	_ =	task.clear_ibuf [dreg:s7], $0x2FFFF;
	_ =	strace $0x9FFFFFFF  }
0xc9: {  	(tm) =	ssettm $0x7FFFFFFF  }
tec
execute0_lowered:
.L_overlay_start_1:
0x0: {  	(tag) =	ssettag $0x1  }
0x1: {  	s2 =	rddreg [dreg:$0x0]  }
0x2: {  	s6 =	rddreg [dreg:$0x1]  }
0x3: {  	s3 =	rddreg [dreg:$0x2]  }
0x4: {  	s1 =	stileid.u32;
	s0 =	rddreg [dreg:$0x3]  }
0x5: {  	s4 =	simm.s32 $0x0;
	s8 =	srdreg.scid;
	s14 =	simm.s32 $0x5  }
0x6: {  	s15 =	simm.s32 $0x16380;
	s18 =	simm.s32 $0x50;
	s19 =	simm.s32 $0x1A380  }
0x7: {  	s20 =	simm.s32 $0x2;
	s21 =	simm.s32 $0x1CB80;
	s22 =	simm.s32 $0x3  }
0x8: {  	s24 =	simm.s32 $0x1;
	s5 =	sshrl.u32 s1, $0x3;
	s25 =	smul.u32 $0x278, s1  }
0x9: {  	s7 =	sshll.u32 s1, $0x7;
	s23 =	sand.u32 $0x1, s8;
	s11 =	smul.u32 $0x4F000, s1  }
0xa: {  	[smem:$0x7FF] =	sst s4;
	s9 =	sshll.u32 s1, $0xB;
	s5 =	smul.u32 $0x13C00, s5  }
0xb: {  	s16 =	sshll.u32 s1, $0x6;
	s7 =	sand.u32 $0x380, s7;
	s26 =	smul.u32 $0x2780, s23  }
0xc: {  	_ =	strace $0x8000004A;
	s9 =	sadd.s32 s9, s6;
	s29 =	ssub.s32 $0x2, s23  }
0xd: {  	s16 =	sor.u32 $0x1C05, s16;
	v0 =	vmov s23;
	s23 =	simm.s32 $0x4;
	s30 =	sshrl.u32 s29, $0x1  }
0xe: {  	s31 =	sshrl.u32 s11, $0x2;
	s11 =	simm.s32 $0x80;
	s5 =	sor.u32 s7, s5  }
0xf: {  	s28 =	sadd.s32 s25, s26;
	s13 =	ssub.s32 s29, s30;
	s17 =	sadd.s32 s31, s3  }
.Ltmp0:
0x10: {  	s25 =	simm.s32 $0x0;
	s5 =	sshrl.u32 s5, $0x3;
	(pc) =	sbr.rel .LBB2_1-.Ltmp0, $4  }
0x11: {  	s7 =	sshll.u32 s28, $0x4;
	s10 =	sadd.s32 s5, s6;
	s5 =	sadd.s32 $0x5F200, s6  }
0x12: {  	s12 =	sadd.s32 s7, s6;
	s7 =	sadd.s32 $0x4000, s9;
	s6 =	sadd.s32 $0xC000, s10  }
0x13: {  	s17 =	sshrl.u32 s17, $0x3;
	s8 =	sadd.s32 $0x14D400, s12;
	s9 =	sadd.s32 $0x19C400, s12  }
0x14: {  	s10 =	smax.u32 s13, $0x1;
	s12 =	simm.s32 $0x400;
	s13 =	simm.s32 $0x13C00  }
.LBB2_21:
0x15: {  	_ =	swait.ge [sflag:s22], $0x2800  }
0x16: {  	[sflag:s22] =	ssyncset.done $0x0  }
0x17: {  	[sflag:s22] =	ssyncadd.s32 $0xFFFFD800  }
0x18: {  	_ =	swait.ge [sflag:s23], $0x2800  }
0x19: {  	[sflag:s23] =	ssyncset.done $0x0  }
0x1a: {  	s25 =	sadd.s32 $0x1, s25;
	[sflag:s23] =	ssyncadd.s32 $0xFFFFD800  }
0x1b: {  	p0 =	sne.s32 s25, s10;
	[bflag:$0x0] =	sbarrier.arrive $0xFFFF  }
0x1c: {  	[hbm:s9], [sflag:s16] =	dma.local [spmem:s17], $0x2780  }
.Ltmp1:
0x1d: {  	_ =	swait.ge [sflag:s14], $0x2780;
	(pc) =	sbr.rel @!p0 .LBB2_22-.Ltmp1, $3  }
0x1e: {  	[sflag:s14] =	ssyncset.done $0x0  }
0x1f: {  	[sflag:s14] =	ssyncadd.s32 $0xFFFFD880  }
0x20: {  	[bflag:$0x0] =	sbarrier.arrive $0xFFFF;
	_ =	sdelay $0x1  }
.LBB2_1:
0x21: {  	[tilespmem:s13], [sflag:$0x5] =	stream.strided.gather [hbm4b:s6+s11], $0x2780, s12, s11, $0x38;
	[tilespmem:$0x1F380] =	vst v63  }
0x22: {  	_ =	swait.ge [sflag:s14], $0x2780  }
0x23: {  	[sflag:s14] =	ssyncset.done $0x0  }
0x24: {  	[sflag:s14] =	ssyncadd.s32 $0xFFFFD880  }
0x25: {  	[tilespmem:s15], [sflag:$0x5] =	stream.linear.gather [hbm4b:s7+s4], $0x3E80, $0x38;
	[tilespmem:$0x1F380] =	vst v63  }
0x26: {  	_ =	swait.ge [sflag:s14], $0x3E80  }
0x27: {  	[sflag:s14] =	ssyncset.done $0x0  }
0x28: {  	s26 =	simm.s32 $0x0;
	s28 =	simm.s32 $0x40;
	[sflag:s14] =	ssyncadd.s32 $0xFFFFC180  }
.LBB2_2:
0x29: {  	p0 =	sne.s32 s28, $0x9C00;
	v1 =	vld [tilespmem:s26+$0x13C00];
	_ =	sdelay $0x2  }
.Ltmp2:
0x2a: {  	(pc) =	sbr.rel @p0 .LBB2_2-.Ltmp2, $4  }
0x2b: {  	_ = 	snop  }
0x2c: {  	v1 =	vshll.u32 v1, $0x2  }
0x2d: {  	v1 =	vor.u32 v0, v1  }
0x2e: {  	[tilespmem:s26+$0x13C00] =	vst v1;
	s26 =	sshra.s32 s28, $0x2;
	s28 =	sadd.s32 $0x40, s28  }
0x2f: {  	v1 =	vld [tilespmem:s26+$0x13C00];
	_ =	sdelay $0x4  }
0x30: {  	v1 =	vshll.u32 v1, $0x2  }
0x31: {  	v1 =	vor.u32 v0, v1  }
0x32: {  	[tilespmem:s26+$0x13C00] =	vst v1  }
0x33: {  	[spmem:s17], [sflag:s16] =	dma.local [hbm:s5], $0x2780  }
.Ltmp3:
0x34: {  	_ =	swait.ge [sflag:s14], $0x2780;
	(pc) =	sbr.rel .LBB2_4-.Ltmp3, $4  }
0x35: {  	[sflag:s14] =	ssyncset.done $0x0  }
0x36: {  	s28 =	simm.s32 $0x16380;
	[sflag:s14] =	ssyncadd.s32 $0xFFFFD880  }
0x37: {  	s29 =	simm.s32 $0x13C50;
	s26 =	simm.s32 $0x0;
	[bflag:$0x0] =	sbarrier.arrive $0xFFFF  }
0x38: {  	[tilespmem:s19], [sflag:$0x1] =	stream.indirect.gather [hbm4b:s2+s18], $0x80, s13, s18, $0xb8;
	[tilespmem:$0x1F380] =	vst v63  }
.LBB2_9:
0x39: {  	_ =	swait.ge [sflag:s20], $0x2800  }
0x3a: {  	[sflag:s20] =	ssyncset.done $0x0  }
0x3b: {  	[sflag:s20] =	ssyncadd.s32 $0xFFFFD800  }
0x3c: {  	[spmem:s3] =	stream.indirect.scatter.add.f32 [tilespmem:s21], [sflag:$0x4], $0x80, s28, s18, $0xb8;
	[tilespmem:$0x1F380] =	vst v63  }
0x3d: {  	_ =	swait.ge [sflag:s22], $0x2800  }
0x3e: {  	[sflag:s22] =	ssyncset.done $0x0  }
0x3f: {  	[sflag:s22] =	ssyncadd.s32 $0xFFFFD800  }
0x40: {  	[tilespmem:s19], [sflag:$0x1] =	stream.indirect.gather [hbm4b:s2+s18], $0x80, s29, s18, $0xb8;
	[tilespmem:$0x1F380] =	vst v63  }
.LBB2_10:
0x41: {  	s26 =	sadd.s32 $0x1, s26  }
0x42: {  	p0 =	sne.s32 s26, $0x7D  }
.Ltmp4:
0x43: {  	_ = 	snop;
	(pc) =	sbr.rel @!p0 .LBB2_11-.Ltmp4, $2  }
0x44: {  	_ =	sdelay $0x2  }
0x45: {  	s28 =	sadd.s32 $0x80, s28;
	s29 =	sadd.s32 $0x50, s29  }
.LBB2_4:
0x46: {  	s30 =	sand.u32 $0x1, s26  }
0x47: {  	p0 =	seq.s32 s30, $0x1  }
.Ltmp5:
0x48: {  	_ = 	snop;
	(pc) =	sbr.rel @p0 .LBB2_9-.Ltmp5, $1  }
0x49: {  	_ =	sdelay $0x3  }
0x4a: {  	p0 =	seq.s32 s26, $0x0  }
.Ltmp6:
0x4b: {  	_ = 	snop;
	(pc) =	sbr.rel @p0 .LBB2_8-.Ltmp6, $4  }
0x4c: {  	_ =	swait.ge [sflag:s24], $0x2800  }
0x4d: {  	[sflag:s24] =	ssyncset.done $0x0  }
0x4e: {  	[sflag:s24] =	ssyncadd.s32 $0xFFFFD800  }
0x4f: {  	[spmem:s3] =	stream.indirect.scatter.add.f32 [tilespmem:s19], [sflag:$0x3], $0x80, s28, s18, $0xb8;
	[tilespmem:$0x1F380] =	vst v63  }
0x50: {  	p0 =	seq.s32 s26, $0x7C  }
.Ltmp7:
0x51: {  	_ = 	snop;
	(pc) =	sbr.rel @p0 .LBB2_11-.Ltmp7, $1  }
0x52: {  	_ =	sdelay $0x3  }
0x53: {  	_ =	swait.ge [sflag:s23], $0x2800  }
0x54: {  	[sflag:s23] =	ssyncset.done $0x0  }
0x55: {  	[sflag:s23] =	ssyncadd.s32 $0xFFFFD800  }
.LBB2_8:
.Ltmp8:
0x56: {  	(pc) =	sbr.rel .LBB2_10-.Ltmp8, $2  }
0x57: {  	_ =	sdelay $0x2  }
0x58: {  	[tilespmem:s21], [sflag:$0x2] =	stream.indirect.gather [hbm4b:s2+s18], $0x80, s29, s18, $0xb8;
	[tilespmem:$0x1F380] =	vst v63  }
.LBB2_11:
0x59: {  	_ =	swait.ge [sflag:s22], $0x2800  }
0x5a: {  	[sflag:s22] =	ssyncset.done $0x0  }
0x5b: {  	[sflag:s22] =	ssyncadd.s32 $0xFFFFD800  }
0x5c: {  	_ =	swait.ge [sflag:s23], $0x2800  }
0x5d: {  	[sflag:s23] =	ssyncset.done $0x0  }
0x5e: {  	[sflag:s23] =	ssyncadd.s32 $0xFFFFD800  }
0x5f: {  	[bflag:$0x0] =	sbarrier.arrive $0xFFFF  }
0x60: {  	[hbm:s8], [sflag:s16] =	dma.local [spmem:s17], $0x2780  }
0x61: {  	_ =	swait.ge [sflag:s14], $0x2780  }
0x62: {  	[sflag:s14] =	ssyncset.done $0x0  }
0x63: {  	[sflag:s14] =	ssyncadd.s32 $0xFFFFD880  }
0x64: {  	s26 =	simm.s32 $0x0;
	s28 =	simm.s32 $0x40;
	[bflag:$0x0] =	sbarrier.arrive $0xFFFF  }
.LBB2_12:
0x65: {  	p0 =	sne.s32 s28, $0x9C00;
	v1 =	vld [tilespmem:s26+$0x13C00];
	_ =	sdelay $0x1  }
.Ltmp9:
0x66: {  	(pc) =	sbr.rel @p0 .LBB2_12-.Ltmp9, $3  }
0x67: {  	_ =	sdelay $0x1  }
0x68: {  	v1 =	vadd.s32 $0x2, v1  }
0x69: {  	[tilespmem:s26+$0x13C00] =	vst v1;
	s26 =	sshra.s32 s28, $0x2;
	s28 =	sadd.s32 $0x40, s28  }
0x6a: {  	v1 =	vld [tilespmem:s26+$0x13C00];
	_ =	sdelay $0x4  }
0x6b: {  	v1 =	vadd.s32 $0x2, v1  }
0x6c: {  	[tilespmem:s26+$0x13C00] =	vst v1  }
0x6d: {  	[spmem:s17], [sflag:s16] =	dma.local [hbm:s5], $0x2780  }
.Ltmp10:
0x6e: {  	_ =	swait.ge [sflag:s14], $0x2780;
	(pc) =	sbr.rel .LBB2_14-.Ltmp10, $4  }
0x6f: {  	[sflag:s14] =	ssyncset.done $0x0  }
0x70: {  	s28 =	simm.s32 $0x16380;
	[sflag:s14] =	ssyncadd.s32 $0xFFFFD880  }
0x71: {  	s29 =	simm.s32 $0x13C50;
	s26 =	simm.s32 $0x0;
	[bflag:$0x0] =	sbarrier.arrive $0xFFFF  }
0x72: {  	[tilespmem:s19], [sflag:$0x1] =	stream.indirect.gather [hbm4b:s2+s18], $0x80, s13, s18, $0xb8;
	[tilespmem:$0x1F380] =	vst v63  }
.LBB2_19:
0x73: {  	_ =	swait.ge [sflag:s20], $0x2800  }
0x74: {  	[sflag:s20] =	ssyncset.done $0x0  }
0x75: {  	[sflag:s20] =	ssyncadd.s32 $0xFFFFD800  }
0x76: {  	[spmem:s3] =	stream.indirect.scatter.add.f32 [tilespmem:s21], [sflag:$0x4], $0x80, s28, s18, $0xb8;
	[tilespmem:$0x1F380] =	vst v63  }
0x77: {  	_ =	swait.ge [sflag:s22], $0x2800  }
0x78: {  	[sflag:s22] =	ssyncset.done $0x0  }
0x79: {  	[sflag:s22] =	ssyncadd.s32 $0xFFFFD800  }
0x7a: {  	[tilespmem:s19], [sflag:$0x1] =	stream.indirect.gather [hbm4b:s2+s18], $0x80, s29, s18, $0xb8;
	[tilespmem:$0x1F380] =	vst v63  }
.LBB2_20:
0x7b: {  	s26 =	sadd.s32 $0x1, s26  }
0x7c: {  	p0 =	sne.s32 s26, $0x7D  }
.Ltmp11:
0x7d: {  	_ = 	snop;
	(pc) =	sbr.rel @!p0 .LBB2_21-.Ltmp11, $2  }
0x7e: {  	_ =	sdelay $0x2  }
0x7f: {  	s28 =	sadd.s32 $0x80, s28;
	s29 =	sadd.s32 $0x50, s29  }
.LBB2_14:
0x80: {  	s30 =	sand.u32 $0x1, s26  }
0x81: {  	p0 =	seq.s32 s30, $0x1  }
.Ltmp12:
0x82: {  	_ = 	snop;
	(pc) =	sbr.rel @p0 .LBB2_19-.Ltmp12, $1  }
0x83: {  	_ =	sdelay $0x3  }
0x84: {  	p0 =	seq.s32 s26, $0x0  }
.Ltmp13:
0x85: {  	_ = 	snop;
	(pc) =	sbr.rel @p0 .LBB2_18-.Ltmp13, $4  }
0x86: {  	_ =	swait.ge [sflag:s24], $0x2800  }
0x87: {  	[sflag:s24] =	ssyncset.done $0x0  }
0x88: {  	[sflag:s24] =	ssyncadd.s32 $0xFFFFD800  }
0x89: {  	[spmem:s3] =	stream.indirect.scatter.add.f32 [tilespmem:s19], [sflag:$0x3], $0x80, s28, s18, $0xb8;
	[tilespmem:$0x1F380] =	vst v63  }
0x8a: {  	p0 =	seq.s32 s26, $0x7C  }
.Ltmp14:
0x8b: {  	_ = 	snop;
	(pc) =	sbr.rel @p0 .LBB2_21-.Ltmp14, $1  }
0x8c: {  	_ =	sdelay $0x3  }
0x8d: {  	_ =	swait.ge [sflag:s23], $0x2800  }
0x8e: {  	[sflag:s23] =	ssyncset.done $0x0  }
0x8f: {  	[sflag:s23] =	ssyncadd.s32 $0xFFFFD800  }
.LBB2_18:
.Ltmp15:
0x90: {  	(pc) =	sbr.rel .LBB2_20-.Ltmp15, $2  }
0x91: {  	_ =	sdelay $0x2  }
0x92: {  	[tilespmem:s21], [sflag:$0x2] =	stream.indirect.gather [hbm4b:s2+s18], $0x80, s29, s18, $0xb8;
	[tilespmem:$0x1F380] =	vst v63  }
.LBB2_22:
0x93: {  	_ =	sfence.sel $0x180000  }
0x94: {  	[bflag:$0x0] =	sbarrier.arrive $0xFFFF  }
0x95: {  	p0 =	sne.s32 s1, $0x0;
	_ =	strace $0x9000004A  }
0x96: {  	s0 =	sadd.s32 @!p0 $0x100000, s0;
	[bflag:$0x2] =	sbarrier.arrive $0xFFFF  }
0x97: {  	[sflag:s0] =	ssyncadd.tile.s32 @!p0 $0x1;
	_ =	shalt  }
.Lfunc_end2:
_tile_overlayer_lowered:
.L_overlay_start_2:
0x98: {  	(tag) =	ssettag $0x2  }
0x99: {  	s0 =	rddreg [dreg:$0x0];
	s2 =	stileid.u32  }
0x9a: {  	s1 =	rddreg [dreg:$0x1];
	p0 =	sne.s32 s2, $0x0  }
0x9b: {  	s3 =	rddreg [dreg:$0x2];
	[bflag:$0x3] =	sbarrier.arrive $0xFFFF;
	s2 =	simm.s32 @!p0 $0x1C05  }
0x9c: {  	[timem:s3], [sflag:s2] =	dma.local @!p0 [hbm:s0], s1  }
0x9d: {  	s0 =	simm.s32 @!p0 $0x5  }
0x9e: {  	_ =	swait.ge @!p0 [sflag:s0], s1  }
0x9f: {  	s1 =	ssub.s32 @!p0 $0x0, s1;
	[sflag:s0] =	ssyncset.done @!p0 $0x0  }
0xa0: {  	[sflag:s0] =	ssyncadd.s32 @!p0 s1  }
0xa1: {  	[bflag:$0x3] =	sbarrier.arrive $0xFFFF  }
0xa2: {  	_ =	shalt  }

</sc_bundles>
